<compile_context>
chip_gen: v7x
topology: tpu7x:2x2x1
jax: 0.10.2.dev20260603
libtpu: 0.0.44.dev20260713+nightly
codegen_flags: <defaults>
</compile_context>

<pallas_src>
import jax
import jax.numpy as jnp
from jax import lax
from jax.experimental import pallas as pl
from jax.experimental.pallas import tpu as pltpu
from jax.experimental.pallas import tpu_sc as plsc

BATCH = 16384
EMB_DIM = 64
NC = 2
NS = 16
NW = NC * NS
B_PER_W = BATCH // NW
LANES = 16


def _lookup_body(uid_idx_hbm, iid_idx_hbm, uid_table_hbm, iid_table_hbm,
                 uid_out_hbm, iid_out_hbm,
                 idx_u, idx_i, rows_u, rows_i, sem_u, sem_i, sem_o):
    wid = lax.axis_index("s") * NC + lax.axis_index("c")
    base = wid * B_PER_W
    pltpu.sync_copy(uid_idx_hbm.at[pl.ds(base, B_PER_W)], idx_u)
    pltpu.sync_copy(iid_idx_hbm.at[pl.ds(base, B_PER_W)], idx_i)
    HALF = B_PER_W // 2
    prev = []
    for h in range(2):
        def fetch(g, carry, h=h):
            vec_u = idx_u[pl.ds(h * HALF + g * LANES, LANES)]
            vec_i = idx_i[pl.ds(h * HALF + g * LANES, LANES)]
            for l in range(LANES):
                pltpu.async_copy(uid_table_hbm.at[pl.ds(vec_u[l], 1)],
                                 rows_u.at[pl.ds(g * LANES + l, 1)], sem_u)
                pltpu.async_copy(iid_table_hbm.at[pl.ds(vec_i[l], 1)],
                                 rows_i.at[pl.ds(g * LANES + l, 1)], sem_i)
            return carry

        for c in prev:
            c.wait()
        prev = []
        lax.fori_loop(0, HALF // LANES, fetch, 0)
        pltpu.make_async_copy(
            uid_table_hbm.at[pl.ds(0, HALF)], rows_u, sem_u).wait()
        prev.append(pltpu.async_copy(
            rows_u, uid_out_hbm.at[pl.ds(base + h * HALF, HALF)], sem_o))
        pltpu.make_async_copy(
            iid_table_hbm.at[pl.ds(0, HALF)], rows_i, sem_i).wait()
        prev.append(pltpu.async_copy(
            rows_i, iid_out_hbm.at[pl.ds(base + h * HALF, HALF)], sem_o))
    for c in prev:
        c.wait()


def kernel(x, uid_table, iid_table):
    uid_idx = x[:, 0]
    iid_idx = x[:, 1]
    mesh = plsc.VectorSubcoreMesh(core_axis_name="c", subcore_axis_name="s")
    f = pl.kernel(
        _lookup_body,
        out_type=(
            jax.ShapeDtypeStruct((BATCH, EMB_DIM), jnp.float32),
            jax.ShapeDtypeStruct((BATCH, EMB_DIM), jnp.float32),
        ),
        mesh=mesh,
        scratch_types=[
            pltpu.VMEM((B_PER_W,), jnp.int32),
            pltpu.VMEM((B_PER_W,), jnp.int32),
            pltpu.VMEM((B_PER_W // 2, EMB_DIM), jnp.float32),
            pltpu.VMEM((B_PER_W // 2, EMB_DIM), jnp.float32),
            pltpu.SemaphoreType.DMA,
            pltpu.SemaphoreType.DMA,
            pltpu.SemaphoreType.DMA,
        ],
        compiler_params=pltpu.CompilerParams(needs_layout_passes=False),
    )
    return f(uid_idx, iid_idx, uid_table, iid_table)

# --- scband reference (transcript-rebuilt; emitter-appended) ---
"""Pipeline reference for scband-lookup-embedding-64639257805434 (READ-ONLY COPY).

The authoritative reference and input builder live on the scoring server;
editing this copy changes nothing except your own understanding.
"""

import jax, jax.numpy as jnp
import numpy as np

UID_ALL = 1000000
IID_ALL = 1000000
EMB_DIM = 64
BATCH = 16384

def setup_inputs(seed: int = 0) -> dict:
    key = jax.random.key(seed)
    k_x, k_u, k_i = jax.random.split(key, 3)
    x = jax.random.randint(k_x, (BATCH, 2), 0, UID_ALL, dtype=jnp.int64 if jax.config.jax_enable_x64 else jnp.int32).astype(jnp.int32)
    uid_table = jax.random.normal(k_u, (UID_ALL, EMB_DIM), dtype=jnp.float32)
    iid_table = jax.random.normal(k_i, (IID_ALL, EMB_DIM), dtype=jnp.float32)
    return {"x": x, "uid_table": uid_table, "iid_table": iid_table}

def reference(x, uid_table, iid_table):
    uid_emb = jnp.take(uid_table, x[:, 0], axis=0)
    iid_emb = jnp.take(iid_table, x[:, 1], axis=0)
    return (uid_emb, iid_emb)

if __name__ == "__main__":
    import jax
    _d = setup_inputs()
    print(jax.jit(kernel)(*tuple(_d.values())))

</pallas_src>

<mosaic_0001>
#map = affine_map<(d0, d1) -> (0)>
#map1 = affine_map<(d0, d1) -> (0, 0)>
module attributes {stable_mosaic.version = 14 : i64} {
  func.func @_lookup_body(%arg0: i32, %arg1: i32, %arg2: memref<16384xi32, #tpu.memory_space<hbm>>, %arg3: memref<16384xi32, #tpu.memory_space<hbm>>, %arg4: memref<1000000x64xf32, #tpu.memory_space<hbm>>, %arg5: memref<1000000x64xf32, #tpu.memory_space<hbm>>, %arg6: memref<16384x64xf32, #tpu.memory_space<hbm>>, %arg7: memref<16384x64xf32, #tpu.memory_space<hbm>>, %arg8: memref<512xi32, #tpu.memory_space<vmem>>, %arg9: memref<512xi32, #tpu.memory_space<vmem>>, %arg10: memref<256x64xf32, #tpu.memory_space<vmem>>, %arg11: memref<256x64xf32, #tpu.memory_space<vmem>>, %arg12: memref<!tpu.dma_semaphore, #tpu.memory_space<semaphore_mem>>, %arg13: memref<!tpu.dma_semaphore, #tpu.memory_space<semaphore_mem>>, %arg14: memref<!tpu.dma_semaphore, #tpu.memory_space<semaphore_mem>>) attributes {dimension_semantics = [#tpu.dimension_semantics<core_parallel>, #tpu.dimension_semantics<subcore_parallel>], iteration_bounds = array<i64: 2, 16>, scalar_prefetch = 0 : i64, scratch_operands = 7 : i64, tpu.core_type = #tpu.core_type<sc_vector_subcore>, window_params = [{transform_indices = #map}, {transform_indices = #map}, {transform_indices = #map1}, {transform_indices = #map1}, {transform_indices = #map1}, {transform_indices = #map1}]} {
    %mul3A = arith.constant 2 : i32
    %mul3A_0 = arith.muli %arg1, %mul3A : i32
    %add3A = arith.addi %mul3A_0, %arg0 : i32
    %mul3A_1 = arith.constant 512 : i32
    %mul3A_2 = arith.muli %add3A, %mul3A_1 : i32
    "tpu.region"() ({
      %run_scoped3A = tpu.sem_alloc : memref<!tpu.dma_semaphore, #tpu.memory_space<semaphore_mem>>
      %dma_start3A_76 = tpu.memref_slice %arg2[%mul3A_2] : memref<16384xi32, #tpu.memory_space<hbm>> -> memref<512xi32, #tpu.memory_space<hbm>>
      %dma_start3A_77 = tpu.memref_slice %arg2[%mul3A_2] : memref<16384xi32, #tpu.memory_space<hbm>> -> memref<512xi32, #tpu.memory_space<hbm>>
      tpu.enqueue_dma source(%dma_start3A_77 : memref<512xi32, #tpu.memory_space<hbm>>) target(%arg8 : memref<512xi32, #tpu.memory_space<vmem>>) target_semaphore(%run_scoped3A : memref<!tpu.dma_semaphore, #tpu.memory_space<semaphore_mem>>)
      %dma_wait3A_78 = tpu.memref_slice %arg2[%mul3A_2] : memref<16384xi32, #tpu.memory_space<hbm>> -> memref<512xi32, #tpu.memory_space<hbm>>
      %dma_wait3A_79 = tpu.memref_slice %arg2[%mul3A_2] : memref<16384xi32, #tpu.memory_space<hbm>> -> memref<512xi32, #tpu.memory_space<hbm>>
      tpu.wait_dma2 semaphore(%run_scoped3A : memref<!tpu.dma_semaphore, #tpu.memory_space<semaphore_mem>>) src(%dma_wait3A_79 : memref<512xi32, #tpu.memory_space<hbm>>) dst(%arg8 : memref<512xi32, #tpu.memory_space<vmem>>)
      tpu.yield
    }) : () -> ()
    "tpu.region"() ({
      %run_scoped3A = tpu.sem_alloc : memref<!tpu.dma_semaphore, #tpu.memory_space<semaphore_mem>>
      %dma_start3A_76 = tpu.memref_slice %arg3[%mul3A_2] : memref<16384xi32, #tpu.memory_space<hbm>> -> memref<512xi32, #tpu.memory_space<hbm>>
      %dma_start3A_77 = tpu.memref_slice %arg3[%mul3A_2] : memref<16384xi32, #tpu.memory_space<hbm>> -> memref<512xi32, #tpu.memory_space<hbm>>
      tpu.enqueue_dma source(%dma_start3A_77 : memref<512xi32, #tpu.memory_space<hbm>>) target(%arg9 : memref<512xi32, #tpu.memory_space<vmem>>) target_semaphore(%run_scoped3A : memref<!tpu.dma_semaphore, #tpu.memory_space<semaphore_mem>>)
      %dma_wait3A_78 = tpu.memref_slice %arg3[%mul3A_2] : memref<16384xi32, #tpu.memory_space<hbm>> -> memref<512xi32, #tpu.memory_space<hbm>>
      %dma_wait3A_79 = tpu.memref_slice %arg3[%mul3A_2] : memref<16384xi32, #tpu.memory_space<hbm>> -> memref<512xi32, #tpu.memory_space<hbm>>
      tpu.wait_dma2 semaphore(%run_scoped3A : memref<!tpu.dma_semaphore, #tpu.memory_space<semaphore_mem>>) src(%dma_wait3A_79 : memref<512xi32, #tpu.memory_space<hbm>>) dst(%arg9 : memref<512xi32, #tpu.memory_space<vmem>>)
      tpu.yield
    }) : () -> ()
    %scan3A = arith.constant 0 : i32
    %scan3A_3 = arith.constant 0 : i32
    %scan3A_4 = arith.constant 16 : i32
    %scan3A_5 = arith.addi %scan3A_3, %scan3A_4 : i32
    %scan3A_6 = arith.constant 1 : i32
    scf.for %scan3A_76 = %scan3A_3 to %scan3A_5 step %scan3A_6  : i32 {
      %mul3A_77 = arith.constant 16 : i32
      %mul3A_78 = arith.muli %scan3A_76, %mul3A_77 : i32
      %add3A_79 = arith.constant 0 : i32
      %add3A_80 = arith.addi %add3A_79, %mul3A_78 : i32
      %get3A = arith.index_cast %add3A_80 : i32 to index
      %get3A_81 = tpu.vector_load %arg8[%get3A] {strides = array<i32>} : memref<512xi32, #tpu.memory_space<vmem>>, vector<16xi32>,
      %mul3A_82 = arith.constant 16 : i32
      %mul3A_83 = arith.muli %scan3A_76, %mul3A_82 : i32
      %add3A_84 = arith.constant 0 : i32
      %add3A_85 = arith.addi %add3A_84, %mul3A_83 : i32
      %get3A_86 = arith.index_cast %add3A_85 : i32 to index
      %get3A_87 = tpu.vector_load %arg9[%get3A_86] {strides = array<i32>} : memref<512xi32, #tpu.memory_space<vmem>>, vector<16xi32>,
      %slice3A = vector.extract_strided_slice %get3A_81 {offsets = [0], sizes = [1], strides = [1]} : vector<16xi32> to vector<1xi32>
      %squeeze3A = vector.extract %slice3A[0] : i32 from vector<1xi32>
      %mul3A_88 = arith.constant 16 : i32
      %mul3A_89 = arith.muli %scan3A_76, %mul3A_88 : i32
      %add3A_90 = arith.constant 0 : i32
      %add3A_91 = arith.addi %mul3A_89, %add3A_90 : i32
      %dma_start3A_92 = arith.constant 0 : i32
      %dma_start3A_93 = tpu.memref_slice %arg10[%add3A_91, %dma_start3A_92] : memref<256x64xf32, #tpu.memory_space<vmem>> -> memref<1x64xf32, #tpu.memory_space<vmem>>
      %dma_start3A_94 = arith.constant 0 : i32
      %dma_start3A_95 = tpu.memref_slice %arg4[%squeeze3A, %dma_start3A_94] : memref<1000000x64xf32, #tpu.memory_space<hbm>> -> memref<1x64xf32, #tpu.memory_space<hbm>>
      %dma_start3A_96 = arith.constant 0 : i32
      %dma_start3A_97 = tpu.memref_slice %arg10[%add3A_91, %dma_start3A_96] : memref<256x64xf32, #tpu.memory_space<vmem>> -> memref<1x64xf32, #tpu.memory_space<vmem>>
      %dma_start3A_98 = arith.constant 0 : i32
      %dma_start3A_99 = tpu.memref_slice %arg4[%squeeze3A, %dma_start3A_98] : memref<1000000x64xf32, #tpu.memory_space<hbm>> -> memref<1x64xf32, #tpu.memory_space<hbm>>
      tpu.enqueue_dma source(%dma_start3A_99 : memref<1x64xf32, #tpu.memory_space<hbm>>) target(%dma_start3A_97 : memref<1x64xf32, #tpu.memory_space<vmem>>) target_semaphore(%arg12 : memref<!tpu.dma_semaphore, #tpu.memory_space<semaphore_mem>>)
      %slice3A_100 = vector.extract_strided_slice %get3A_87 {offsets = [0], sizes = [1], strides = [1]} : vector<16xi32> to vector<1xi32>
      %squeeze3A_101 = vector.extract %slice3A_100[0] : i32 from vector<1xi32>
      %mul3A_102 = arith.constant 16 : i32
      %mul3A_103 = arith.muli %scan3A_76, %mul3A_102 : i32
      %add3A_104 = arith.constant 0 : i32
      %add3A_105 = arith.addi %mul3A_103, %add3A_104 : i32
      %dma_start3A_106 = arith.constant 0 : i32
      %dma_start3A_107 = tpu.memref_slice %arg11[%add3A_105, %dma_start3A_106] : memref<256x64xf32, #tpu.memory_space<vmem>> -> memref<1x64xf32, #tpu.memory_space<vmem>>
      %dma_start3A_108 = arith.constant 0 : i32
      %dma_start3A_109 = tpu.memref_slice %arg5[%squeeze3A_101, %dma_start3A_108] : memref<1000000x64xf32, #tpu.memory_space<hbm>> -> memref<1x64xf32, #tpu.memory_space<hbm>>
      %dma_start3A_110 = arith.constant 0 : i32
      %dma_start3A_111 = tpu.memref_slice %arg11[%add3A_105, %dma_start3A_110] : memref<256x64xf32, #tpu.memory_space<vmem>> -> memref<1x64xf32, #tpu.memory_space<vmem>>
      %dma_start3A_112 = arith.constant 0 : i32
      %dma_start3A_113 = tpu.memref_slice %arg5[%squeeze3A_101, %dma_start3A_112] : memref<1000000x64xf32, #tpu.memory_space<hbm>> -> memref<1x64xf32, #tpu.memory_space<hbm>>
      tpu.enqueue_dma source(%dma_start3A_113 : memref<1x64xf32, #tpu.memory_space<hbm>>) target(%dma_start3A_111 : memref<1x64xf32, #tpu.memory_space<vmem>>) target_semaphore(%arg13 : memref<!tpu.dma_semaphore, #tpu.memory_space<semaphore_mem>>)
      %slice3A_114 = vector.extract_strided_slice %get3A_81 {offsets = [1], sizes = [1], strides = [1]} : vector<16xi32> to vector<1xi32>
      %squeeze3A_115 = vector.extract %slice3A_114[0] : i32 from vector<1xi32>
      %mul3A_116 = arith.constant 16 : i32
      %mul3A_117 = arith.muli %scan3A_76, %mul3A_116 : i32
      %add3A_118 = arith.constant 1 : i32
      %add3A_119 = arith.addi %mul3A_117, %add3A_118 : i32
      %dma_start3A_120 = arith.constant 0 : i32
      %dma_start3A_121 = tpu.memref_slice %arg10[%add3A_119, %dma_start3A_120] : memref<256x64xf32, #tpu.memory_space<vmem>> -> memref<1x64xf32, #tpu.memory_space<vmem>>
      %dma_start3A_122 = arith.constant 0 : i32
      %dma_start3A_123 = tpu.memref_slice %arg4[%squeeze3A_115, %dma_start3A_122] : memref<1000000x64xf32, #tpu.memory_space<hbm>> -> memref<1x64xf32, #tpu.memory_space<hbm>>
      %dma_start3A_124 = arith.constant 0 : i32
      %dma_start3A_125 = tpu.memref_slice %arg10[%add3A_119, %dma_start3A_124] : memref<256x64xf32, #tpu.memory_space<vmem>> -> memref<1x64xf32, #tpu.memory_space<vmem>>
      %dma_start3A_126 = arith.constant 0 : i32
      %dma_start3A_127 = tpu.memref_slice %arg4[%squeeze3A_115, %dma_start3A_126] : memref<1000000x64xf32, #tpu.memory_space<hbm>> -> memref<1x64xf32, #tpu.memory_space<hbm>>
      tpu.enqueue_dma source(%dma_start3A_127 : memref<1x64xf32, #tpu.memory_space<hbm>>) target(%dma_start3A_125 : memref<1x64xf32, #tpu.memory_space<vmem>>) target_semaphore(%arg12 : memref<!tpu.dma_semaphore, #tpu.memory_space<semaphore_mem>>)
      %slice3A_128 = vector.extract_strided_slice %get3A_87 {offsets = [1], sizes = [1], strides = [1]} : vector<16xi32> to vector<1xi32>
      %squeeze3A_129 = vector.extract %slice3A_128[0] : i32 from vector<1xi32>
      %mul3A_130 = arith.constant 16 : i32
      %mul3A_131 = arith.muli %scan3A_76, %mul3A_130 : i32
      %add3A_132 = arith.constant 1 : i32
      %add3A_133 = arith.addi %mul3A_131, %add3A_132 : i32
      %dma_start3A_134 = arith.constant 0 : i32
      %dma_start3A_135 = tpu.memref_slice %arg11[%add3A_133, %dma_start3A_134] : memref<256x64xf32, #tpu.memory_space<vmem>> -> memref<1x64xf32, #tpu.memory_space<vmem>>
      %dma_start3A_136 = arith.constant 0 : i32
      %dma_start3A_137 = tpu.memref_slice %arg5[%squeeze3A_129, %dma_start3A_136] : memref<1000000x64xf32, #tpu.memory_space<hbm>> -> memref<1x64xf32, #tpu.memory_space<hbm>>
      %dma_start3A_138 = arith.constant 0 : i32
      %dma_start3A_139 = tpu.memref_slice %arg11[%add3A_133, %dma_start3A_138] : memref<256x64xf32, #tpu.memory_space<vmem>> -> memref<1x64xf32, #tpu.memory_space<vmem>>
      %dma_start3A_140 = arith.constant 0 : i32
      %dma_start3A_141 = tpu.memref_slice %arg5[%squeeze3A_129, %dma_start3A_140] : memref<1000000x64xf32, #tpu.memory_space<hbm>> -> memref<1x64xf32, #tpu.memory_space<hbm>>
      tpu.enqueue_dma source(%dma_start3A_141 : memref<1x64xf32, #tpu.memory_space<hbm>>) target(%dma_start3A_139 : memref<1x64xf32, #tpu.memory_space<vmem>>) target_semaphore(%arg13 : memref<!tpu.dma_semaphore, #tpu.memory_space<semaphore_mem>>)
      %slice3A_142 = vector.extract_strided_slice %get3A_81 {offsets = [2], sizes = [1], strides = [1]} : vector<16xi32> to vector<1xi32>
      %squeeze3A_143 = vector.extract %slice3A_142[0] : i32 from vector<1xi32>
      %mul3A_144 = arith.constant 16 : i32
      %mul3A_145 = arith.muli %scan3A_76, %mul3A_144 : i32
      %add3A_146 = arith.constant 2 : i32
      %add3A_147 = arith.addi %mul3A_145, %add3A_146 : i32
      %dma_start3A_148 = arith.constant 0 : i32
      %dma_start3A_149 = tpu.memref_slice %arg10[%add3A_147, %dma_start3A_148] : memref<256x64xf32, #tpu.memory_space<vmem>> -> memref<1x64xf32, #tpu.memory_space<vmem>>
      %dma_start3A_150 = arith.constant 0 : i32
      %dma_start3A_151 = tpu.memref_slice %arg4[%squeeze3A_143, %dma_start3A_150] : memref<1000000x64xf32, #tpu.memory_space<hbm>> -> memref<1x64xf32, #tpu.memory_space<hbm>>
      %dma_start3A_152 = arith.constant 0 : i32
      %dma_start3A_153 = tpu.memref_slice %arg10[%add3A_147, %dma_start3A_152] : memref<256x64xf32, #tpu.memory_space<vmem>> -> memref<1x64xf32, #tpu.memory_space<vmem>>
      %dma_start3A_154 = arith.constant 0 : i32
      %dma_start3A_155 = tpu.memref_slice %arg4[%squeeze3A_143, %dma_start3A_154] : memref<1000000x64xf32, #tpu.memory_space<hbm>> -> memref<1x64xf32, #tpu.memory_space<hbm>>
      tpu.enqueue_dma source(%dma_start3A_155 : memref<1x64xf32, #tpu.memory_space<hbm>>) target(%dma_start3A_153 : memref<1x64xf32, #tpu.memory_space<vmem>>) target_semaphore(%arg12 : memref<!tpu.dma_semaphore, #tpu.memory_space<semaphore_mem>>)
      %slice3A_156 = vector.extract_strided_slice %get3A_87 {offsets = [2], sizes = [1], strides = [1]} : vector<16xi32> to vector<1xi32>
      %squeeze3A_157 = vector.extract %slice3A_156[0] : i32 from vector<1xi32>
      %mul3A_158 = arith.constant 16 : i32
      %mul3A_159 = arith.muli %scan3A_76, %mul3A_158 : i32
      %add3A_160 = arith.constant 2 : i32
      %add3A_161 = arith.addi %mul3A_159, %add3A_160 : i32
      %dma_start3A_162 = arith.constant 0 : i32
      %dma_start3A_163 = tpu.memref_slice %arg11[%add3A_161, %dma_start3A_162] : memref<256x64xf32, #tpu.memory_space<vmem>> -> memref<1x64xf32, #tpu.memory_space<vmem>>
      %dma_start3A_164 = arith.constant 0 : i32
      %dma_start3A_165 = tpu.memref_slice %arg5[%squeeze3A_157, %dma_start3A_164] : memref<1000000x64xf32, #tpu.memory_space<hbm>> -> memref<1x64xf32, #tpu.memory_space<hbm>>
      %dma_start3A_166 = arith.constant 0 : i32
      %dma_start3A_167 = tpu.memref_slice %arg11[%add3A_161, %dma_start3A_166] : memref<256x64xf32, #tpu.memory_space<vmem>> -> memref<1x64xf32, #tpu.memory_space<vmem>>
      %dma_start3A_168 = arith.constant 0 : i32
      %dma_start3A_169 = tpu.memref_slice %arg5[%squeeze3A_157, %dma_start3A_168] : memref<1000000x64xf32, #tpu.memory_space<hbm>> -> memref<1x64xf32, #tpu.memory_space<hbm>>
      tpu.enqueue_dma source(%dma_start3A_169 : memref<1x64xf32, #tpu.memory_space<hbm>>) target(%dma_start3A_167 : memref<1x64xf32, #tpu.memory_space<vmem>>) target_semaphore(%arg13 : memref<!tpu.dma_semaphore, #tpu.memory_space<semaphore_mem>>)
      %slice3A_170 = vector.extract_strided_slice %get3A_81 {offsets = [3], sizes = [1], strides = [1]} : vector<16xi32> to vector<1xi32>
      %squeeze3A_171 = vector.extract %slice3A_170[0] : i32 from vector<1xi32>
      %mul3A_172 = arith.constant 16 : i32
      %mul3A_173 = arith.muli %scan3A_76, %mul3A_172 : i32
      %add3A_174 = arith.constant 3 : i32
      %add3A_175 = arith.addi %mul3A_173, %add3A_174 : i32
      %dma_start3A_176 = arith.constant 0 : i32
      %dma_start3A_177 = tpu.memref_slice %arg10[%add3A_175, %dma_start3A_176] : memref<256x64xf32, #tpu.memory_space<vmem>> -> memref<1x64xf32, #tpu.memory_space<vmem>>
      %dma_start3A_178 = arith.constant 0 : i32
      %dma_start3A_179 = tpu.memref_slice %arg4[%squeeze3A_171, %dma_start3A_178] : memref<1000000x64xf32, #tpu.memory_space<hbm>> -> memref<1x64xf32, #tpu.memory_space<hbm>>
      %dma_start3A_180 = arith.constant 0 : i32
      %dma_start3A_181 = tpu.memref_slice %arg10[%add3A_175, %dma_start3A_180] : memref<256x64xf32, #tpu.memory_space<vmem>> -> memref<1x64xf32, #tpu.memory_space<vmem>>
      %dma_start3A_182 = arith.constant 0 : i32
      %dma_start3A_183 = tpu.memref_slice %arg4[%squeeze3A_171, %dma_start3A_182] : memref<1000000x64xf32, #tpu.memory_space<hbm>> -> memref<1x64xf32, #tpu.memory_space<hbm>>
      tpu.enqueue_dma source(%dma_start3A_183 : memref<1x64xf32, #tpu.memory_space<hbm>>) target(%dma_start3A_181 : memref<1x64xf32, #tpu.memory_space<vmem>>) target_semaphore(%arg12 : memref<!tpu.dma_semaphore, #tpu.memory_space<semaphore_mem>>)
      %slice3A_184 = vector.extract_strided_slice %get3A_87 {offsets = [3], sizes = [1], strides = [1]} : vector<16xi32> to vector<1xi32>
      %squeeze3A_185 = vector.extract %slice3A_184[0] : i32 from vector<1xi32>
      %mul3A_186 = arith.constant 16 : i32
      %mul3A_187 = arith.muli %scan3A_76, %mul3A_186 : i32
      %add3A_188 = arith.constant 3 : i32
      %add3A_189 = arith.addi %mul3A_187, %add3A_188 : i32
      %dma_start3A_190 = arith.constant 0 : i32
      %dma_start3A_191 = tpu.memref_slice %arg11[%add3A_189, %dma_start3A_190] : memref<256x64xf32, #tpu.memory_space<vmem>> -> memref<1x64xf32, #tpu.memory_space<vmem>>
      %dma_start3A_192 = arith.constant 0 : i32
      %dma_start3A_193 = tpu.memref_slice %arg5[%squeeze3A_185, %dma_start3A_192] : memref<1000000x64xf32, #tpu.memory_space<hbm>> -> memref<1x64xf32, #tpu.memory_space<hbm>>
      %dma_start3A_194 = arith.constant 0 : i32
      %dma_start3A_195 = tpu.memref_slice %arg11[%add3A_189, %dma_start3A_194] : memref<256x64xf32, #tpu.memory_space<vmem>> -> memref<1x64xf32, #tpu.memory_space<vmem>>
      %dma_start3A_196 = arith.constant 0 : i32
      %dma_start3A_197 = tpu.memref_slice %arg5[%squeeze3A_185, %dma_start3A_196] : memref<1000000x64xf32, #tpu.memory_space<hbm>> -> memref<1x64xf32, #tpu.memory_space<hbm>>
      tpu.enqueue_dma source(%dma_start3A_197 : memref<1x64xf32, #tpu.memory_space<hbm>>) target(%dma_start3A_195 : memref<1x64xf32, #tpu.memory_space<vmem>>) target_semaphore(%arg13 : memref<!tpu.dma_semaphore, #tpu.memory_space<semaphore_mem>>)
      %slice3A_198 = vector.extract_strided_slice %get3A_81 {offsets = [4], sizes = [1], strides = [1]} : vector<16xi32> to vector<1xi32>
      %squeeze3A_199 = vector.extract %slice3A_198[0] : i32 from vector<1xi32>
      %mul3A_200 = arith.constant 16 : i32
      %mul3A_201 = arith.muli %scan3A_76, %mul3A_200 : i32
      %add3A_202 = arith.constant 4 : i32
      %add3A_203 = arith.addi %mul3A_201, %add3A_202 : i32
      %dma_start3A_204 = arith.constant 0 : i32
      %dma_start3A_205 = tpu.memref_slice %arg10[%add3A_203, %dma_start3A_204] : memref<256x64xf32, #tpu.memory_space<vmem>> -> memref<1x64xf32, #tpu.memory_space<vmem>>
      %dma_start3A_206 = arith.constant 0 : i32
      %dma_start3A_207 = tpu.memref_slice %arg4[%squeeze3A_199, %dma_start3A_206] : memref<1000000x64xf32, #tpu.memory_space<hbm>> -> memref<1x64xf32, #tpu.memory_space<hbm>>
      %dma_start3A_208 = arith.constant 0 : i32
      %dma_start3A_209 = tpu.memref_slice %arg10[%add3A_203, %dma_start3A_208] : memref<256x64xf32, #tpu.memory_space<vmem>> -> memref<1x64xf32, #tpu.memory_space<vmem>>
      %dma_start3A_210 = arith.constant 0 : i32
      %dma_start3A_211 = tpu.memref_slice %arg4[%squeeze3A_199, %dma_start3A_210] : memref<1000000x64xf32, #tpu.memory_space<hbm>> -> memref<1x64xf32, #tpu.memory_space<hbm>>
      tpu.enqueue_dma source(%dma_start3A_211 : memref<1x64xf32, #tpu.memory_space<hbm>>) target(%dma_start3A_209 : memref<1x64xf32, #tpu.memory_space<vmem>>) target_semaphore(%arg12 : memref<!tpu.dma_semaphore, #tpu.memory_space<semaphore_mem>>)
      %slice3A_212 = vector.extract_strided_slice %get3A_87 {offsets = [4], sizes = [1], strides = [1]} : vector<16xi32> to vector<1xi32>
      %squeeze3A_213 = vector.extract %slice3A_212[0] : i32 from vector<1xi32>
      %mul3A_214 = arith.constant 16 : i32
      %mul3A_215 = arith.muli %scan3A_76, %mul3A_214 : i32
      %add3A_216 = arith.constant 4 : i32
      %add3A_217 = arith.addi %mul3A_215, %add3A_216 : i32
      %dma_start3A_218 = arith.constant 0 : i32
      %dma_start3A_219 = tpu.memref_slice %arg11[%add3A_217, %dma_start3A_218] : memref<256x64xf32, #tpu.memory_space<vmem>> -> memref<1x64xf32, #tpu.memory_space<vmem>>
      %dma_start3A_220 = arith.constant 0 : i32
      %dma_start3A_221 = tpu.memref_slice %arg5[%squeeze3A_213, %dma_start3A_220] : memref<1000000x64xf32, #tpu.memory_space<hbm>> -> memref<1x64xf32, #tpu.memory_space<hbm>>
      %dma_start3A_222 = arith.constant 0 : i32
      %dma_start3A_223 = tpu.memref_slice %arg11[%add3A_217, %dma_start3A_222] : memref<256x64xf32, #tpu.memory_space<vmem>> -> memref<1x64xf32, #tpu.memory_space<vmem>>
      %dma_start3A_224 = arith.constant 0 : i32
      %dma_start3A_225 = tpu.memref_slice %arg5[%squeeze3A_213, %dma_start3A_224] : memref<1000000x64xf32, #tpu.memory_space<hbm>> -> memref<1x64xf32, #tpu.memory_space<hbm>>
      tpu.enqueue_dma source(%dma_start3A_225 : memref<1x64xf32, #tpu.memory_space<hbm>>) target(%dma_start3A_223 : memref<1x64xf32, #tpu.memory_space<vmem>>) target_semaphore(%arg13 : memref<!tpu.dma_semaphore, #tpu.memory_space<semaphore_mem>>)
      %slice3A_226 = vector.extract_strided_slice %get3A_81 {offsets = [5], sizes = [1], strides = [1]} : vector<16xi32> to vector<1xi32>
      %squeeze3A_227 = vector.extract %slice3A_226[0] : i32 from vector<1xi32>
      %mul3A_228 = arith.constant 16 : i32
      %mul3A_229 = arith.muli %scan3A_76, %mul3A_228 : i32
      %add3A_230 = arith.constant 5 : i32
      %add3A_231 = arith.addi %mul3A_229, %add3A_230 : i32
      %dma_start3A_232 = arith.constant 0 : i32
      %dma_start3A_233 = tpu.memref_slice %arg10[%add3A_231, %dma_start3A_232] : memref<256x64xf32, #tpu.memory_space<vmem>> -> memref<1x64xf32, #tpu.memory_space<vmem>>
      %dma_start3A_234 = arith.constant 0 : i32
      %dma_start3A_235 = tpu.memref_slice %arg4[%squeeze3A_227, %dma_start3A_234] : memref<1000000x64xf32, #tpu.memory_space<hbm>> -> memref<1x64xf32, #tpu.memory_space<hbm>>
      %dma_start3A_236 = arith.constant 0 : i32
      %dma_start3A_237 = tpu.memref_slice %arg10[%add3A_231, %dma_start3A_236] : memref<256x64xf32, #tpu.memory_space<vmem>> -> memref<1x64xf32, #tpu.memory_space<vmem>>
      %dma_start3A_238 = arith.constant 0 : i32
      %dma_start3A_239 = tpu.memref_slice %arg4[%squeeze3A_227, %dma_start3A_238] : memref<1000000x64xf32, #tpu.memory_space<hbm>> -> memref<1x64xf32, #tpu.memory_space<hbm>>
      tpu.enqueue_dma source(%dma_start3A_239 : memref<1x64xf32, #tpu.memory_space<hbm>>) target(%dma_start3A_237 : memref<1x64xf32, #tpu.memory_space<vmem>>) target_semaphore(%arg12 : memref<!tpu.dma_semaphore, #tpu.memory_space<semaphore_mem>>)
      %slice3A_240 = vector.extract_strided_slice %get3A_87 {offsets = [5], sizes = [1], strides = [1]} : vector<16xi32> to vector<1xi32>
      %squeeze3A_241 = vector.extract %slice3A_240[0] : i32 from vector<1xi32>
      %mul3A_242 = arith.constant 16 : i32
      %mul3A_243 = arith.muli %scan3A_76, %mul3A_242 : i32
      %add3A_244 = arith.constant 5 : i32
      %add3A_245 = arith.addi %mul3A_243, %add3A_244 : i32
      %dma_start3A_246 = arith.constant 0 : i32
      %dma_start3A_247 = tpu.memref_slice %arg11[%add3A_245, %dma_start3A_246] : memref<256x64xf32, #tpu.memory_space<vmem>> -> memref<1x64xf32, #tpu.memory_space<vmem>>
      %dma_start3A_248 = arith.constant 0 : i32
      %dma_start3A_249 = tpu.memref_slice %arg5[%squeeze3A_241, %dma_start3A_248] : memref<1000000x64xf32, #tpu.memory_space<hbm>> -> memref<1x64xf32, #tpu.memory_space<hbm>>
      %dma_start3A_250 = arith.constant 0 : i32
      %dma_start3A_251 = tpu.memref_slice %arg11[%add3A_245, %dma_start3A_250] : memref<256x64xf32, #tpu.memory_space<vmem>> -> memref<1x64xf32, #tpu.memory_space<vmem>>
      %dma_start3A_252 = arith.constant 0 : i32
      %dma_start3A_253 = tpu.memref_slice %arg5[%squeeze3A_241, %dma_start3A_252] : memref<1000000x64xf32, #tpu.memory_space<hbm>> -> memref<1x64xf32, #tpu.memory_space<hbm>>
      tpu.enqueue_dma source(%dma_start3A_253 : memref<1x64xf32, #tpu.memory_space<hbm>>) target(%dma_start3A_251 : memref<1x64xf32, #tpu.memory_space<vmem>>) target_semaphore(%arg13 : memref<!tpu.dma_semaphore, #tpu.memory_space<semaphore_mem>>)
      %slice3A_254 = vector.extract_strided_slice %get3A_81 {offsets = [6], sizes = [1], strides = [1]} : vector<16xi32> to vector<1xi32>
      %squeeze3A_255 = vector.extract %slice3A_254[0] : i32 from vector<1xi32>
      %mul3A_256 = arith.constant 16 : i32
      %mul3A_257 = arith.muli %scan3A_76, %mul3A_256 : i32
      %add3A_258 = arith.constant 6 : i32
      %add3A_259 = arith.addi %mul3A_257, %add3A_258 : i32
      %dma_start3A_260 = arith.constant 0 : i32
      %dma_start3A_261 = tpu.memref_slice %arg10[%add3A_259, %dma_start3A_260] : memref<256x64xf32, #tpu.memory_space<vmem>> -> memref<1x64xf32, #tpu.memory_space<vmem>>
      %dma_start3A_262 = arith.constant 0 : i32
      %dma_start3A_263 = tpu.memref_slice %arg4[%squeeze3A_255, %dma_start3A_262] : memref<1000000x64xf32, #tpu.memory_space<hbm>> -> memref<1x64xf32, #tpu.memory_space<hbm>>
      %dma_start3A_264 = arith.constant 0 : i32
      %dma_start3A_265 = tpu.memref_slice %arg10[%add3A_259, %dma_start3A_264] : memref<256x64xf32, #tpu.memory_space<vmem>> -> memref<1x64xf32, #tpu.memory_space<vmem>>
      %dma_start3A_266 = arith.constant 0 : i32
      %dma_start3A_267 = tpu.memref_slice %arg4[%squeeze3A_255, %dma_start3A_266] : memref<1000000x64xf32, #tpu.memory_space<hbm>> -> memref<1x64xf32, #tpu.memory_space<hbm>>
      tpu.enqueue_dma source(%dma_start3A_267 : memref<1x64xf32, #tpu.memory_space<hbm>>) target(%dma_start3A_265 : memref<1x64xf32, #tpu.memory_space<vmem>>) target_semaphore(%arg12 : memref<!tpu.dma_semaphore, #tpu.memory_space<semaphore_mem>>)
      %slice3A_268 = vector.extract_strided_slice %get3A_87 {offsets = [6], sizes = [1], strides = [1]} : vector<16xi32> to vector<1xi32>
      %squeeze3A_269 = vector.extract %slice3A_268[0] : i32 from vector<1xi32>
      %mul3A_270 = arith.constant 16 : i32
      %mul3A_271 = arith.muli %scan3A_76, %mul3A_270 : i32
      %add3A_272 = arith.constant 6 : i32
      %add3A_273 = arith.addi %mul3A_271, %add3A_272 : i32
      %dma_start3A_274 = arith.constant 0 : i32
      %dma_start3A_275 = tpu.memref_slice %arg11[%add3A_273, %dma_start3A_274] : memref<256x64xf32, #tpu.memory_space<vmem>> -> memref<1x64xf32, #tpu.memory_space<vmem>>
      %dma_start3A_276 = arith.constant 0 : i32
      %dma_start3A_277 = tpu.memref_slice %arg5[%squeeze3A_269, %dma_start3A_276] : memref<1000000x64xf32, #tpu.memory_space<hbm>> -> memref<1x64xf32, #tpu.memory_space<hbm>>
      %dma_start3A_278 = arith.constant 0 : i32
      %dma_start3A_279 = tpu.memref_slice %arg11[%add3A_273, %dma_start3A_278] : memref<256x64xf32, #tpu.memory_space<vmem>> -> memref<1x64xf32, #tpu.memory_space<vmem>>
      %dma_start3A_280 = arith.constant 0 : i32
      %dma_start3A_281 = tpu.memref_slice %arg5[%squeeze3A_269, %dma_start3A_280] : memref<1000000x64xf32, #tpu.memory_space<hbm>> -> memref<1x64xf32, #tpu.memory_space<hbm>>
      tpu.enqueue_dma source(%dma_start3A_281 : memref<1x64xf32, #tpu.memory_space<hbm>>) target(%dma_start3A_279 : memref<1x64xf32, #tpu.memory_space<vmem>>) target_semaphore(%arg13 : memref<!tpu.dma_semaphore, #tpu.memory_space<semaphore_mem>>)
      %slice3A_282 = vector.extract_strided_slice %get3A_81 {offsets = [7], sizes = [1], strides = [1]} : vector<16xi32> to vector<1xi32>
      %squeeze3A_283 = vector.extract %slice3A_282[0] : i32 from vector<1xi32>
      %mul3A_284 = arith.constant 16 : i32
      %mul3A_285 = arith.muli %scan3A_76, %mul3A_284 : i32
      %add3A_286 = arith.constant 7 : i32
      %add3A_287 = arith.addi %mul3A_285, %add3A_286 : i32
      %dma_start3A_288 = arith.constant 0 : i32
      %dma_start3A_289 = tpu.memref_slice %arg10[%add3A_287, %dma_start3A_288] : memref<256x64xf32, #tpu.memory_space<vmem>> -> memref<1x64xf32, #tpu.memory_space<vmem>>
      %dma_start3A_290 = arith.constant 0 : i32
      %dma_start3A_291 = tpu.memref_slice %arg4[%squeeze3A_283, %dma_start3A_290] : memref<1000000x64xf32, #tpu.memory_space<hbm>> -> memref<1x64xf32, #tpu.memory_space<hbm>>
      %dma_start3A_292 = arith.constant 0 : i32
      %dma_start3A_293 = tpu.memref_slice %arg10[%add3A_287, %dma_start3A_292] : memref<256x64xf32, #tpu.memory_space<vmem>> -> memref<1x64xf32, #tpu.memory_space<vmem>>
      %dma_start3A_294 = arith.constant 0 : i32
      %dma_start3A_295 = tpu.memref_slice %arg4[%squeeze3A_283, %dma_start3A_294] : memref<1000000x64xf32, #tpu.memory_space<hbm>> -> memref<1x64xf32, #tpu.memory_space<hbm>>
      tpu.enqueue_dma source(%dma_start3A_295 : memref<1x64xf32, #tpu.memory_space<hbm>>) target(%dma_start3A_293 : memref<1x64xf32, #tpu.memory_space<vmem>>) target_semaphore(%arg12 : memref<!tpu.dma_semaphore, #tpu.memory_space<semaphore_mem>>)
      %slice3A_296 = vector.extract_strided_slice %get3A_87 {offsets = [7], sizes = [1], strides = [1]} : vector<16xi32> to vector<1xi32>
      %squeeze3A_297 = vector.extract %slice3A_296[0] : i32 from vector<1xi32>
      %mul3A_298 = arith.constant 16 : i32
      %mul3A_299 = arith.muli %scan3A_76, %mul3A_298 : i32
      %add3A_300 = arith.constant 7 : i32
      %add3A_301 = arith.addi %mul3A_299, %add3A_300 : i32
      %dma_start3A_302 = arith.constant 0 : i32
      %dma_start3A_303 = tpu.memref_slice %arg11[%add3A_301, %dma_start3A_302] : memref<256x64xf32, #tpu.memory_space<vmem>> -> memref<1x64xf32, #tpu.memory_space<vmem>>
      %dma_start3A_304 = arith.constant 0 : i32
      %dma_start3A_305 = tpu.memref_slice %arg5[%squeeze3A_297, %dma_start3A_304] : memref<1000000x64xf32, #tpu.memory_space<hbm>> -> memref<1x64xf32, #tpu.memory_space<hbm>>
      %dma_start3A_306 = arith.constant 0 : i32
      %dma_start3A_307 = tpu.memref_slice %arg11[%add3A_301, %dma_start3A_306] : memref<256x64xf32, #tpu.memory_space<vmem>> -> memref<1x64xf32, #tpu.memory_space<vmem>>
      %dma_start3A_308 = arith.constant 0 : i32
      %dma_start3A_309 = tpu.memref_slice %arg5[%squeeze3A_297, %dma_start3A_308] : memref<1000000x64xf32, #tpu.memory_space<hbm>> -> memref<1x64xf32, #tpu.memory_space<hbm>>
      tpu.enqueue_dma source(%dma_start3A_309 : memref<1x64xf32, #tpu.memory_space<hbm>>) target(%dma_start3A_307 : memref<1x64xf32, #tpu.memory_space<vmem>>) target_semaphore(%arg13 : memref<!tpu.dma_semaphore, #tpu.memory_space<semaphore_mem>>)
      %slice3A_310 = vector.extract_strided_slice %get3A_81 {offsets = [8], sizes = [1], strides = [1]} : vector<16xi32> to vector<1xi32>
      %squeeze3A_311 = vector.extract %slice3A_310[0] : i32 from vector<1xi32>
      %mul3A_312 = arith.constant 16 : i32
      %mul3A_313 = arith.muli %scan3A_76, %mul3A_312 : i32
      %add3A_314 = arith.constant 8 : i32
      %add3A_315 = arith.addi %mul3A_313, %add3A_314 : i32
      %dma_start3A_316 = arith.constant 0 : i32
      %dma_start3A_317 = tpu.memref_slice %arg10[%add3A_315, %dma_start3A_316] : memref<256x64xf32, #tpu.memory_space<vmem>> -> memref<1x64xf32, #tpu.memory_space<vmem>>
      %dma_start3A_318 = arith.constant 0 : i32
      %dma_start3A_319 = tpu.memref_slice %arg4[%squeeze3A_311, %dma_start3A_318] : memref<1000000x64xf32, #tpu.memory_space<hbm>> -> memref<1x64xf32, #tpu.memory_space<hbm>>
      %dma_start3A_320 = arith.constant 0 : i32
      %dma_start3A_321 = tpu.memref_slice %arg10[%add3A_315, %dma_start3A_320] : memref<256x64xf32, #tpu.memory_space<vmem>> -> memref<1x64xf32, #tpu.memory_space<vmem>>
      %dma_start3A_322 = arith.constant 0 : i32
      %dma_start3A_323 = tpu.memref_slice %arg4[%squeeze3A_311, %dma_start3A_322] : memref<1000000x64xf32, #tpu.memory_space<hbm>> -> memref<1x64xf32, #tpu.memory_space<hbm>>
      tpu.enqueue_dma source(%dma_start3A_323 : memref<1x64xf32, #tpu.memory_space<hbm>>) target(%dma_start3A_321 : memref<1x64xf32, #tpu.memory_space<vmem>>) target_semaphore(%arg12 : memref<!tpu.dma_semaphore, #tpu.memory_space<semaphore_mem>>)
      %slice3A_324 = vector.extract_strided_slice %get3A_87 {offsets = [8], sizes = [1], strides = [1]} : vector<16xi32> to vector<1xi32>
      %squeeze3A_325 = vector.extract %slice3A_324[0] : i32 from vector<1xi32>
      %mul3A_326 = arith.constant 16 : i32
      %mul3A_327 = arith.muli %scan3A_76, %mul3A_326 : i32
      %add3A_328 = arith.constant 8 : i32
      %add3A_329 = arith.addi %mul3A_327, %add3A_328 : i32
      %dma_start3A_330 = arith.constant 0 : i32
      %dma_start3A_331 = tpu.memref_slice %arg11[%add3A_329, %dma_start3A_330] : memref<256x64xf32, #tpu.memory_space<vmem>> -> memref<1x64xf32, #tpu.memory_space<vmem>>
      %dma_start3A_332 = arith.constant 0 : i32
      %dma_start3A_333 = tpu.memref_slice %arg5[%squeeze3A_325, %dma_start3A_332] : memref<1000000x64xf32, #tpu.memory_space<hbm>> -> memref<1x64xf32, #tpu.memory_space<hbm>>
      %dma_start3A_334 = arith.constant 0 : i32
      %dma_start3A_335 = tpu.memref_slice %arg11[%add3A_329, %dma_start3A_334] : memref<256x64xf32, #tpu.memory_space<vmem>> -> memref<1x64xf32, #tpu.memory_space<vmem>>
      %dma_start3A_336 = arith.constant 0 : i32
      %dma_start3A_337 = tpu.memref_slice %arg5[%squeeze3A_325, %dma_start3A_336] : memref<1000000x64xf32, #tpu.memory_space<hbm>> -> memref<1x64xf32, #tpu.memory_space<hbm>>
      tpu.enqueue_dma source(%dma_start3A_337 : memref<1x64xf32, #tpu.memory_space<hbm>>) target(%dma_start3A_335 : memref<1x64xf32, #tpu.memory_space<vmem>>) target_semaphore(%arg13 : memref<!tpu.dma_semaphore, #tpu.memory_space<semaphore_mem>>)
      %slice3A_338 = vector.extract_strided_slice %get3A_81 {offsets = [9], sizes = [1], strides = [1]} : vector<16xi32> to vector<1xi32>
      %squeeze3A_339 = vector.extract %slice3A_338[0] : i32 from vector<1xi32>
      %mul3A_340 = arith.constant 16 : i32
      %mul3A_341 = arith.muli %scan3A_76, %mul3A_340 : i32
      %add3A_342 = arith.constant 9 : i32
      %add3A_343 = arith.addi %mul3A_341, %add3A_342 : i32
      %dma_start3A_344 = arith.constant 0 : i32
      %dma_start3A_345 = tpu.memref_slice %arg10[%add3A_343, %dma_start3A_344] : memref<256x64xf32, #tpu.memory_space<vmem>> -> memref<1x64xf32, #tpu.memory_space<vmem>>
      %dma_start3A_346 = arith.constant 0 : i32
      %dma_start3A_347 = tpu.memref_slice %arg4[%squeeze3A_339, %dma_start3A_346] : memref<1000000x64xf32, #tpu.memory_space<hbm>> -> memref<1x64xf32, #tpu.memory_space<hbm>>
      %dma_start3A_348 = arith.constant 0 : i32
      %dma_start3A_349 = tpu.memref_slice %arg10[%add3A_343, %dma_start3A_348] : memref<256x64xf32, #tpu.memory_space<vmem>> -> memref<1x64xf32, #tpu.memory_space<vmem>>
      %dma_start3A_350 = arith.constant 0 : i32
      %dma_start3A_351 = tpu.memref_slice %arg4[%squeeze3A_339, %dma_start3A_350] : memref<1000000x64xf32, #tpu.memory_space<hbm>> -> memref<1x64xf32, #tpu.memory_space<hbm>>
      tpu.enqueue_dma source(%dma_start3A_351 : memref<1x64xf32, #tpu.memory_space<hbm>>) target(%dma_start3A_349 : memref<1x64xf32, #tpu.memory_space<vmem>>) target_semaphore(%arg12 : memref<!tpu.dma_semaphore, #tpu.memory_space<semaphore_mem>>)
      %slice3A_352 = vector.extract_strided_slice %get3A_87 {offsets = [9], sizes = [1], strides = [1]} : vector<16xi32> to vector<1xi32>
      %squeeze3A_353 = vector.extract %slice3A_352[0] : i32 from vector<1xi32>
      %mul3A_354 = arith.constant 16 : i32
      %mul3A_355 = arith.muli %scan3A_76, %mul3A_354 : i32
      %add3A_356 = arith.constant 9 : i32
      %add3A_357 = arith.addi %mul3A_355, %add3A_356 : i32
      %dma_start3A_358 = arith.constant 0 : i32
      %dma_start3A_359 = tpu.memref_slice %arg11[%add3A_357, %dma_start3A_358] : memref<256x64xf32, #tpu.memory_space<vmem>> -> memref<1x64xf32, #tpu.memory_space<vmem>>
      %dma_start3A_360 = arith.constant 0 : i32
      %dma_start3A_361 = tpu.memref_slice %arg5[%squeeze3A_353, %dma_start3A_360] : memref<1000000x64xf32, #tpu.memory_space<hbm>> -> memref<1x64xf32, #tpu.memory_space<hbm>>
      %dma_start3A_362 = arith.constant 0 : i32
      %dma_start3A_363 = tpu.memref_slice %arg11[%add3A_357, %dma_start3A_362] : memref<256x64xf32, #tpu.memory_space<vmem>> -> memref<1x64xf32, #tpu.memory_space<vmem>>
      %dma_start3A_364 = arith.constant 0 : i32
      %dma_start3A_365 = tpu.memref_slice %arg5[%squeeze3A_353, %dma_start3A_364] : memref<1000000x64xf32, #tpu.memory_space<hbm>> -> memref<1x64xf32, #tpu.memory_space<hbm>>
      tpu.enqueue_dma source(%dma_start3A_365 : memref<1x64xf32, #tpu.memory_space<hbm>>) target(%dma_start3A_363 : memref<1x64xf32, #tpu.memory_space<vmem>>) target_semaphore(%arg13 : memref<!tpu.dma_semaphore, #tpu.memory_space<semaphore_mem>>)
      %slice3A_366 = vector.extract_strided_slice %get3A_81 {offsets = [10], sizes = [1], strides = [1]} : vector<16xi32> to vector<1xi32>
      %squeeze3A_367 = vector.extract %slice3A_366[0] : i32 from vector<1xi32>
      %mul3A_368 = arith.constant 16 : i32
      %mul3A_369 = arith.muli %scan3A_76, %mul3A_368 : i32
      %add3A_370 = arith.constant 10 : i32
      %add3A_371 = arith.addi %mul3A_369, %add3A_370 : i32
      %dma_start3A_372 = arith.constant 0 : i32
      %dma_start3A_373 = tpu.memref_slice %arg10[%add3A_371, %dma_start3A_372] : memref<256x64xf32, #tpu.memory_space<vmem>> -> memref<1x64xf32, #tpu.memory_space<vmem>>
      %dma_start3A_374 = arith.constant 0 : i32
      %dma_start3A_375 = tpu.memref_slice %arg4[%squeeze3A_367, %dma_start3A_374] : memref<1000000x64xf32, #tpu.memory_space<hbm>> -> memref<1x64xf32, #tpu.memory_space<hbm>>
      %dma_start3A_376 = arith.constant 0 : i32
      %dma_start3A_377 = tpu.memref_slice %arg10[%add3A_371, %dma_start3A_376] : memref<256x64xf32, #tpu.memory_space<vmem>> -> memref<1x64xf32, #tpu.memory_space<vmem>>
      %dma_start3A_378 = arith.constant 0 : i32
      %dma_start3A_379 = tpu.memref_slice %arg4[%squeeze3A_367, %dma_start3A_378] : memref<1000000x64xf32, #tpu.memory_space<hbm>> -> memref<1x64xf32, #tpu.memory_space<hbm>>
      tpu.enqueue_dma source(%dma_start3A_379 : memref<1x64xf32, #tpu.memory_space<hbm>>) target(%dma_start3A_377 : memref<1x64xf32, #tpu.memory_space<vmem>>) target_semaphore(%arg12 : memref<!tpu.dma_semaphore, #tpu.memory_space<semaphore_mem>>)
      %slice3A_380 = vector.extract_strided_slice %get3A_87 {offsets = [10], sizes = [1], strides = [1]} : vector<16xi32> to vector<1xi32>
      %squeeze3A_381 = vector.extract %slice3A_380[0] : i32 from vector<1xi32>
      %mul3A_382 = arith.constant 16 : i32
      %mul3A_383 = arith.muli %scan3A_76, %mul3A_382 : i32
      %add3A_384 = arith.constant 10 : i32
      %add3A_385 = arith.addi %mul3A_383, %add3A_384 : i32
      %dma_start3A_386 = arith.constant 0 : i32
      %dma_start3A_387 = tpu.memref_slice %arg11[%add3A_385, %dma_start3A_386] : memref<256x64xf32, #tpu.memory_space<vmem>> -> memref<1x64xf32, #tpu.memory_space<vmem>>
      %dma_start3A_388 = arith.constant 0 : i32
      %dma_start3A_389 = tpu.memref_slice %arg5[%squeeze3A_381, %dma_start3A_388] : memref<1000000x64xf32, #tpu.memory_space<hbm>> -> memref<1x64xf32, #tpu.memory_space<hbm>>
      %dma_start3A_390 = arith.constant 0 : i32
      %dma_start3A_391 = tpu.memref_slice %arg11[%add3A_385, %dma_start3A_390] : memref<256x64xf32, #tpu.memory_space<vmem>> -> memref<1x64xf32, #tpu.memory_space<vmem>>
      %dma_start3A_392 = arith.constant 0 : i32
      %dma_start3A_393 = tpu.memref_slice %arg5[%squeeze3A_381, %dma_start3A_392] : memref<1000000x64xf32, #tpu.memory_space<hbm>> -> memref<1x64xf32, #tpu.memory_space<hbm>>
      tpu.enqueue_dma source(%dma_start3A_393 : memref<1x64xf32, #tpu.memory_space<hbm>>) target(%dma_start3A_391 : memref<1x64xf32, #tpu.memory_space<vmem>>) target_semaphore(%arg13 : memref<!tpu.dma_semaphore, #tpu.memory_space<semaphore_mem>>)
      %slice3A_394 = vector.extract_strided_slice %get3A_81 {offsets = [11], sizes = [1], strides = [1]} : vector<16xi32> to vector<1xi32>
      %squeeze3A_395 = vector.extract %slice3A_394[0] : i32 from vector<1xi32>
      %mul3A_396 = arith.constant 16 : i32
      %mul3A_397 = arith.muli %scan3A_76, %mul3A_396 : i32
      %add3A_398 = arith.constant 11 : i32
      %add3A_399 = arith.addi %mul3A_397, %add3A_398 : i32
      %dma_start3A_400 = arith.constant 0 : i32
      %dma_start3A_401 = tpu.memref_slice %arg10[%add3A_399, %dma_start3A_400] : memref<256x64xf32, #tpu.memory_space<vmem>> -> memref<1x64xf32, #tpu.memory_space<vmem>>
      %dma_start3A_402 = arith.constant 0 : i32
      %dma_start3A_403 = tpu.memref_slice %arg4[%squeeze3A_395, %dma_start3A_402] : memref<1000000x64xf32, #tpu.memory_space<hbm>> -> memref<1x64xf32, #tpu.memory_space<hbm>>
      %dma_start3A_404 = arith.constant 0 : i32
      %dma_start3A_405 = tpu.memref_slice %arg10[%add3A_399, %dma_start3A_404] : memref<256x64xf32, #tpu.memory_space<vmem>> -> memref<1x64xf32, #tpu.memory_space<vmem>>
      %dma_start3A_406 = arith.constant 0 : i32
      %dma_start3A_407 = tpu.memref_slice %arg4[%squeeze3A_395, %dma_start3A_406] : memref<1000000x64xf32, #tpu.memory_space<hbm>> -> memref<1x64xf32, #tpu.memory_space<hbm>>
      tpu.enqueue_dma source(%dma_start3A_407 : memref<1x64xf32, #tpu.memory_space<hbm>>) target(%dma_start3A_405 : memref<1x64xf32, #tpu.memory_space<vmem>>) target_semaphore(%arg12 : memref<!tpu.dma_semaphore, #tpu.memory_space<semaphore_mem>>)
      %slice3A_408 = vector.extract_strided_slice %get3A_87 {offsets = [11], sizes = [1], strides = [1]} : vector<16xi32> to vector<1xi32>
      %squeeze3A_409 = vector.extract %slice3A_408[0] : i32 from vector<1xi32>
      %mul3A_410 = arith.constant 16 : i32
      %mul3A_411 = arith.muli %scan3A_76, %mul3A_410 : i32
      %add3A_412 = arith.constant 11 : i32
      %add3A_413 = arith.addi %mul3A_411, %add3A_412 : i32
      %dma_start3A_414 = arith.constant 0 : i32
      %dma_start3A_415 = tpu.memref_slice %arg11[%add3A_413, %dma_start3A_414] : memref<256x64xf32, #tpu.memory_space<vmem>> -> memref<1x64xf32, #tpu.memory_space<vmem>>
      %dma_start3A_416 = arith.constant 0 : i32
      %dma_start3A_417 = tpu.memref_slice %arg5[%squeeze3A_409, %dma_start3A_416] : memref<1000000x64xf32, #tpu.memory_space<hbm>> -> memref<1x64xf32, #tpu.memory_space<hbm>>
      %dma_start3A_418 = arith.constant 0 : i32
      %dma_start3A_419 = tpu.memref_slice %arg11[%add3A_413, %dma_start3A_418] : memref<256x64xf32, #tpu.memory_space<vmem>> -> memref<1x64xf32, #tpu.memory_space<vmem>>
      %dma_start3A_420 = arith.constant 0 : i32
      %dma_start3A_421 = tpu.memref_slice %arg5[%squeeze3A_409, %dma_start3A_420] : memref<1000000x64xf32, #tpu.memory_space<hbm>> -> memref<1x64xf32, #tpu.memory_space<hbm>>
      tpu.enqueue_dma source(%dma_start3A_421 : memref<1x64xf32, #tpu.memory_space<hbm>>) target(%dma_start3A_419 : memref<1x64xf32, #tpu.memory_space<vmem>>) target_semaphore(%arg13 : memref<!tpu.dma_semaphore, #tpu.memory_space<semaphore_mem>>)
      %slice3A_422 = vector.extract_strided_slice %get3A_81 {offsets = [12], sizes = [1], strides = [1]} : vector<16xi32> to vector<1xi32>
      %squeeze3A_423 = vector.extract %slice3A_422[0] : i32 from vector<1xi32>
      %mul3A_424 = arith.constant 16 : i32
      %mul3A_425 = arith.muli %scan3A_76, %mul3A_424 : i32
      %add3A_426 = arith.constant 12 : i32
      %add3A_427 = arith.addi %mul3A_425, %add3A_426 : i32
      %dma_start3A_428 = arith.constant 0 : i32
      %dma_start3A_429 = tpu.memref_slice %arg10[%add3A_427, %dma_start3A_428] : memref<256x64xf32, #tpu.memory_space<vmem>> -> memref<1x64xf32, #tpu.memory_space<vmem>>
      %dma_start3A_430 = arith.constant 0 : i32
      %dma_start3A_431 = tpu.memref_slice %arg4[%squeeze3A_423, %dma_start3A_430] : memref<1000000x64xf32, #tpu.memory_space<hbm>> -> memref<1x64xf32, #tpu.memory_space<hbm>>
      %dma_start3A_432 = arith.constant 0 : i32
      %dma_start3A_433 = tpu.memref_slice %arg10[%add3A_427, %dma_start3A_432] : memref<256x64xf32, #tpu.memory_space<vmem>> -> memref<1x64xf32, #tpu.memory_space<vmem>>
      %dma_start3A_434 = arith.constant 0 : i32
      %dma_start3A_435 = tpu.memref_slice %arg4[%squeeze3A_423, %dma_start3A_434] : memref<1000000x64xf32, #tpu.memory_space<hbm>> -> memref<1x64xf32, #tpu.memory_space<hbm>>
      tpu.enqueue_dma source(%dma_start3A_435 : memref<1x64xf32, #tpu.memory_space<hbm>>) target(%dma_start3A_433 : memref<1x64xf32, #tpu.memory_space<vmem>>) target_semaphore(%arg12 : memref<!tpu.dma_semaphore, #tpu.memory_space<semaphore_mem>>)
      %slice3A_436 = vector.extract_strided_slice %get3A_87 {offsets = [12], sizes = [1], strides = [1]} : vector<16xi32> to vector<1xi32>
      %squeeze3A_437 = vector.extract %slice3A_436[0] : i32 from vector<1xi32>
      %mul3A_438 = arith.constant 16 : i32
      %mul3A_439 = arith.muli %scan3A_76, %mul3A_438 : i32
      %add3A_440 = arith.constant 12 : i32
      %add3A_441 = arith.addi %mul3A_439, %add3A_440 : i32
      %dma_start3A_442 = arith.constant 0 : i32
      %dma_start3A_443 = tpu.memref_slice %arg11[%add3A_441, %dma_start3A_442] : memref<256x64xf32, #tpu.memory_space<vmem>> -> memref<1x64xf32, #tpu.memory_space<vmem>>
      %dma_start3A_444 = arith.constant 0 : i32
      %dma_start3A_445 = tpu.memref_slice %arg5[%squeeze3A_437, %dma_start3A_444] : memref<1000000x64xf32, #tpu.memory_space<hbm>> -> memref<1x64xf32, #tpu.memory_space<hbm>>
      %dma_start3A_446 = arith.constant 0 : i32
      %dma_start3A_447 = tpu.memref_slice %arg11[%add3A_441, %dma_start3A_446] : memref<256x64xf32, #tpu.memory_space<vmem>> -> memref<1x64xf32, #tpu.memory_space<vmem>>
      %dma_start3A_448 = arith.constant 0 : i32
      %dma_start3A_449 = tpu.memref_slice %arg5[%squeeze3A_437, %dma_start3A_448] : memref<1000000x64xf32, #tpu.memory_space<hbm>> -> memref<1x64xf32, #tpu.memory_space<hbm>>
      tpu.enqueue_dma source(%dma_start3A_449 : memref<1x64xf32, #tpu.memory_space<hbm>>) target(%dma_start3A_447 : memref<1x64xf32, #tpu.memory_space<vmem>>) target_semaphore(%arg13 : memref<!tpu.dma_semaphore, #tpu.memory_space<semaphore_mem>>)
      %slice3A_450 = vector.extract_strided_slice %get3A_81 {offsets = [13], sizes = [1], strides = [1]} : vector<16xi32> to vector<1xi32>
      %squeeze3A_451 = vector.extract %slice3A_450[0] : i32 from vector<1xi32>
      %mul3A_452 = arith.constant 16 : i32
      %mul3A_453 = arith.muli %scan3A_76, %mul3A_452 : i32
      %add3A_454 = arith.constant 13 : i32
      %add3A_455 = arith.addi %mul3A_453, %add3A_454 : i32
      %dma_start3A_456 = arith.constant 0 : i32
      %dma_start3A_457 = tpu.memref_slice %arg10[%add3A_455, %dma_start3A_456] : memref<256x64xf32, #tpu.memory_space<vmem>> -> memref<1x64xf32, #tpu.memory_space<vmem>>
      %dma_start3A_458 = arith.constant 0 : i32
      %dma_start3A_459 = tpu.memref_slice %arg4[%squeeze3A_451, %dma_start3A_458] : memref<1000000x64xf32, #tpu.memory_space<hbm>> -> memref<1x64xf32, #tpu.memory_space<hbm>>
      %dma_start3A_460 = arith.constant 0 : i32
      %dma_start3A_461 = tpu.memref_slice %arg10[%add3A_455, %dma_start3A_460] : memref<256x64xf32, #tpu.memory_space<vmem>> -> memref<1x64xf32, #tpu.memory_space<vmem>>
      %dma_start3A_462 = arith.constant 0 : i32
      %dma_start3A_463 = tpu.memref_slice %arg4[%squeeze3A_451, %dma_start3A_462] : memref<1000000x64xf32, #tpu.memory_space<hbm>> -> memref<1x64xf32, #tpu.memory_space<hbm>>
      tpu.enqueue_dma source(%dma_start3A_463 : memref<1x64xf32, #tpu.memory_space<hbm>>) target(%dma_start3A_461 : memref<1x64xf32, #tpu.memory_space<vmem>>) target_semaphore(%arg12 : memref<!tpu.dma_semaphore, #tpu.memory_space<semaphore_mem>>)
      %slice3A_464 = vector.extract_strided_slice %get3A_87 {offsets = [13], sizes = [1], strides = [1]} : vector<16xi32> to vector<1xi32>
      %squeeze3A_465 = vector.extract %slice3A_464[0] : i32 from vector<1xi32>
      %mul3A_466 = arith.constant 16 : i32
      %mul3A_467 = arith.muli %scan3A_76, %mul3A_466 : i32
      %add3A_468 = arith.constant 13 : i32
      %add3A_469 = arith.addi %mul3A_467, %add3A_468 : i32
      %dma_start3A_470 = arith.constant 0 : i32
      %dma_start3A_471 = tpu.memref_slice %arg11[%add3A_469, %dma_start3A_470] : memref<256x64xf32, #tpu.memory_space<vmem>> -> memref<1x64xf32, #tpu.memory_space<vmem>>
      %dma_start3A_472 = arith.constant 0 : i32
      %dma_start3A_473 = tpu.memref_slice %arg5[%squeeze3A_465, %dma_start3A_472] : memref<1000000x64xf32, #tpu.memory_space<hbm>> -> memref<1x64xf32, #tpu.memory_space<hbm>>
      %dma_start3A_474 = arith.constant 0 : i32
      %dma_start3A_475 = tpu.memref_slice %arg11[%add3A_469, %dma_start3A_474] : memref<256x64xf32, #tpu.memory_space<vmem>> -> memref<1x64xf32, #tpu.memory_space<vmem>>
      %dma_start3A_476 = arith.constant 0 : i32
      %dma_start3A_477 = tpu.memref_slice %arg5[%squeeze3A_465, %dma_start3A_476] : memref<1000000x64xf32, #tpu.memory_space<hbm>> -> memref<1x64xf32, #tpu.memory_space<hbm>>
      tpu.enqueue_dma source(%dma_start3A_477 : memref<1x64xf32, #tpu.memory_space<hbm>>) target(%dma_start3A_475 : memref<1x64xf32, #tpu.memory_space<vmem>>) target_semaphore(%arg13 : memref<!tpu.dma_semaphore, #tpu.memory_space<semaphore_mem>>)
      %slice3A_478 = vector.extract_strided_slice %get3A_81 {offsets = [14], sizes = [1], strides = [1]} : vector<16xi32> to vector<1xi32>
      %squeeze3A_479 = vector.extract %slice3A_478[0] : i32 from vector<1xi32>
      %mul3A_480 = arith.constant 16 : i32
      %mul3A_481 = arith.muli %scan3A_76, %mul3A_480 : i32
      %add3A_482 = arith.constant 14 : i32
      %add3A_483 = arith.addi %mul3A_481, %add3A_482 : i32
      %dma_start3A_484 = arith.constant 0 : i32
      %dma_start3A_485 = tpu.memref_slice %arg10[%add3A_483, %dma_start3A_484] : memref<256x64xf32, #tpu.memory_space<vmem>> -> memref<1x64xf32, #tpu.memory_space<vmem>>
      %dma_start3A_486 = arith.constant 0 : i32
      %dma_start3A_487 = tpu.memref_slice %arg4[%squeeze3A_479, %dma_start3A_486] : memref<1000000x64xf32, #tpu.memory_space<hbm>> -> memref<1x64xf32, #tpu.memory_space<hbm>>
      %dma_start3A_488 = arith.constant 0 : i32
      %dma_start3A_489 = tpu.memref_slice %arg10[%add3A_483, %dma_start3A_488] : memref<256x64xf32, #tpu.memory_space<vmem>> -> memref<1x64xf32, #tpu.memory_space<vmem>>
      %dma_start3A_490 = arith.constant 0 : i32
      %dma_start3A_491 = tpu.memref_slice %arg4[%squeeze3A_479, %dma_start3A_490] : memref<1000000x64xf32, #tpu.memory_space<hbm>> -> memref<1x64xf32, #tpu.memory_space<hbm>>
      tpu.enqueue_dma source(%dma_start3A_491 : memref<1x64xf32, #tpu.memory_space<hbm>>) target(%dma_start3A_489 : memref<1x64xf32, #tpu.memory_space<vmem>>) target_semaphore(%arg12 : memref<!tpu.dma_semaphore, #tpu.memory_space<semaphore_mem>>)
      %slice3A_492 = vector.extract_strided_slice %get3A_87 {offsets = [14], sizes = [1], strides = [1]} : vector<16xi32> to vector<1xi32>
      %squeeze3A_493 = vector.extract %slice3A_492[0] : i32 from vector<1xi32>
      %mul3A_494 = arith.constant 16 : i32
      %mul3A_495 = arith.muli %scan3A_76, %mul3A_494 : i32
      %add3A_496 = arith.constant 14 : i32
      %add3A_497 = arith.addi %mul3A_495, %add3A_496 : i32
      %dma_start3A_498 = arith.constant 0 : i32
      %dma_start3A_499 = tpu.memref_slice %arg11[%add3A_497, %dma_start3A_498] : memref<256x64xf32, #tpu.memory_space<vmem>> -> memref<1x64xf32, #tpu.memory_space<vmem>>
      %dma_start3A_500 = arith.constant 0 : i32
      %dma_start3A_501 = tpu.memref_slice %arg5[%squeeze3A_493, %dma_start3A_500] : memref<1000000x64xf32, #tpu.memory_space<hbm>> -> memref<1x64xf32, #tpu.memory_space<hbm>>
      %dma_start3A_502 = arith.constant 0 : i32
      %dma_start3A_503 = tpu.memref_slice %arg11[%add3A_497, %dma_start3A_502] : memref<256x64xf32, #tpu.memory_space<vmem>> -> memref<1x64xf32, #tpu.memory_space<vmem>>
      %dma_start3A_504 = arith.constant 0 : i32
      %dma_start3A_505 = tpu.memref_slice %arg5[%squeeze3A_493, %dma_start3A_504] : memref<1000000x64xf32, #tpu.memory_space<hbm>> -> memref<1x64xf32, #tpu.memory_space<hbm>>
      tpu.enqueue_dma source(%dma_start3A_505 : memref<1x64xf32, #tpu.memory_space<hbm>>) target(%dma_start3A_503 : memref<1x64xf32, #tpu.memory_space<vmem>>) target_semaphore(%arg13 : memref<!tpu.dma_semaphore, #tpu.memory_space<semaphore_mem>>)
      %slice3A_506 = vector.extract_strided_slice %get3A_81 {offsets = [15], sizes = [1], strides = [1]} : vector<16xi32> to vector<1xi32>
      %squeeze3A_507 = vector.extract %slice3A_506[0] : i32 from vector<1xi32>
      %mul3A_508 = arith.constant 16 : i32
      %mul3A_509 = arith.muli %scan3A_76, %mul3A_508 : i32
      %add3A_510 = arith.constant 15 : i32
      %add3A_511 = arith.addi %mul3A_509, %add3A_510 : i32
      %dma_start3A_512 = arith.constant 0 : i32
      %dma_start3A_513 = tpu.memref_slice %arg10[%add3A_511, %dma_start3A_512] : memref<256x64xf32, #tpu.memory_space<vmem>> -> memref<1x64xf32, #tpu.memory_space<vmem>>
      %dma_start3A_514 = arith.constant 0 : i32
      %dma_start3A_515 = tpu.memref_slice %arg4[%squeeze3A_507, %dma_start3A_514] : memref<1000000x64xf32, #tpu.memory_space<hbm>> -> memref<1x64xf32, #tpu.memory_space<hbm>>
      %dma_start3A_516 = arith.constant 0 : i32
      %dma_start3A_517 = tpu.memref_slice %arg10[%add3A_511, %dma_start3A_516] : memref<256x64xf32, #tpu.memory_space<vmem>> -> memref<1x64xf32, #tpu.memory_space<vmem>>
      %dma_start3A_518 = arith.constant 0 : i32
      %dma_start3A_519 = tpu.memref_slice %arg4[%squeeze3A_507, %dma_start3A_518] : memref<1000000x64xf32, #tpu.memory_space<hbm>> -> memref<1x64xf32, #tpu.memory_space<hbm>>
      tpu.enqueue_dma source(%dma_start3A_519 : memref<1x64xf32, #tpu.memory_space<hbm>>) target(%dma_start3A_517 : memref<1x64xf32, #tpu.memory_space<vmem>>) target_semaphore(%arg12 : memref<!tpu.dma_semaphore, #tpu.memory_space<semaphore_mem>>)
      %slice3A_520 = vector.extract_strided_slice %get3A_87 {offsets = [15], sizes = [1], strides = [1]} : vector<16xi32> to vector<1xi32>
      %squeeze3A_521 = vector.extract %slice3A_520[0] : i32 from vector<1xi32>
      %mul3A_522 = arith.constant 16 : i32
      %mul3A_523 = arith.muli %scan3A_76, %mul3A_522 : i32
      %add3A_524 = arith.constant 15 : i32
      %add3A_525 = arith.addi %mul3A_523, %add3A_524 : i32
      %dma_start3A_526 = arith.constant 0 : i32
      %dma_start3A_527 = tpu.memref_slice %arg11[%add3A_525, %dma_start3A_526] : memref<256x64xf32, #tpu.memory_space<vmem>> -> memref<1x64xf32, #tpu.memory_space<vmem>>
      %dma_start3A_528 = arith.constant 0 : i32
      %dma_start3A_529 = tpu.memref_slice %arg5[%squeeze3A_521, %dma_start3A_528] : memref<1000000x64xf32, #tpu.memory_space<hbm>> -> memref<1x64xf32, #tpu.memory_space<hbm>>
      %dma_start3A_530 = arith.constant 0 : i32
      %dma_start3A_531 = tpu.memref_slice %arg11[%add3A_525, %dma_start3A_530] : memref<256x64xf32, #tpu.memory_space<vmem>> -> memref<1x64xf32, #tpu.memory_space<vmem>>
      %dma_start3A_532 = arith.constant 0 : i32
      %dma_start3A_533 = tpu.memref_slice %arg5[%squeeze3A_521, %dma_start3A_532] : memref<1000000x64xf32, #tpu.memory_space<hbm>> -> memref<1x64xf32, #tpu.memory_space<hbm>>
      tpu.enqueue_dma source(%dma_start3A_533 : memref<1x64xf32, #tpu.memory_space<hbm>>) target(%dma_start3A_531 : memref<1x64xf32, #tpu.memory_space<vmem>>) target_semaphore(%arg13 : memref<!tpu.dma_semaphore, #tpu.memory_space<semaphore_mem>>)
    }
    %scan3A_7 = arith.constant 16 : i32
    %dma_wait3A = arith.constant 0 : i32
    %dma_wait3A_8 = arith.constant 0 : i32
    %dma_wait3A_9 = tpu.memref_slice %arg4[%dma_wait3A, %dma_wait3A_8] : memref<1000000x64xf32, #tpu.memory_space<hbm>> -> memref<256x64xf32, #tpu.memory_space<hbm>>
    %dma_wait3A_10 = arith.constant 0 : i32
    %dma_wait3A_11 = arith.constant 0 : i32
    %dma_wait3A_12 = tpu.memref_slice %arg4[%dma_wait3A_10, %dma_wait3A_11] : memref<1000000x64xf32, #tpu.memory_space<hbm>> -> memref<256x64xf32, #tpu.memory_space<hbm>>
    tpu.wait_dma2 semaphore(%arg12 : memref<!tpu.dma_semaphore, #tpu.memory_space<semaphore_mem>>) src(%dma_wait3A_12 : memref<256x64xf32, #tpu.memory_space<hbm>>) dst(%arg10 : memref<256x64xf32, #tpu.memory_space<vmem>>)
    %add3A_13 = arith.constant 0 : i32
    %add3A_14 = arith.addi %mul3A_2, %add3A_13 : i32
    %dma_start3A = arith.constant 0 : i32
    %dma_start3A_15 = tpu.memref_slice %arg6[%add3A_14, %dma_start3A] : memref<16384x64xf32, #tpu.memory_space<hbm>> -> memref<256x64xf32, #tpu.memory_space<hbm>>
    %dma_start3A_16 = arith.constant 0 : i32
    %dma_start3A_17 = tpu.memref_slice %arg6[%add3A_14, %dma_start3A_16] : memref<16384x64xf32, #tpu.memory_space<hbm>> -> memref<256x64xf32, #tpu.memory_space<hbm>>
    tpu.enqueue_dma source(%arg10 : memref<256x64xf32, #tpu.memory_space<vmem>>) target(%dma_start3A_17 : memref<256x64xf32, #tpu.memory_space<hbm>>) target_semaphore(%arg14 : memref<!tpu.dma_semaphore, #tpu.memory_space<semaphore_mem>>)
    %dma_wait3A_18 = arith.constant 0 : i32
    %dma_wait3A_19 = arith.constant 0 : i32
    %dma_wait3A_20 = tpu.memref_slice %arg5[%dma_wait3A_18, %dma_wait3A_19] : memref<1000000x64xf32, #tpu.memory_space<hbm>> -> memref<256x64xf32, #tpu.memory_space<hbm>>
    %dma_wait3A_21 = arith.constant 0 : i32
    %dma_wait3A_22 = arith.constant 0 : i32
    %dma_wait3A_23 = tpu.memref_slice %arg5[%dma_wait3A_21, %dma_wait3A_22] : memref<1000000x64xf32, #tpu.memory_space<hbm>> -> memref<256x64xf32, #tpu.memory_space<hbm>>
    tpu.wait_dma2 semaphore(%arg13 : memref<!tpu.dma_semaphore, #tpu.memory_space<semaphore_mem>>) src(%dma_wait3A_23 : memref<256x64xf32, #tpu.memory_space<hbm>>) dst(%arg11 : memref<256x64xf32, #tpu.memory_space<vmem>>)
    %add3A_24 = arith.constant 0 : i32
    %add3A_25 = arith.addi %mul3A_2, %add3A_24 : i32
    %dma_start3A_26 = arith.constant 0 : i32
    %dma_start3A_27 = tpu.memref_slice %arg7[%add3A_25, %dma_start3A_26] : memref<16384x64xf32, #tpu.memory_space<hbm>> -> memref<256x64xf32, #tpu.memory_space<hbm>>
    %dma_start3A_28 = arith.constant 0 : i32
    %dma_start3A_29 = tpu.memref_slice %arg7[%add3A_25, %dma_start3A_28] : memref<16384x64xf32, #tpu.memory_space<hbm>> -> memref<256x64xf32, #tpu.memory_space<hbm>>
    tpu.enqueue_dma source(%arg11 : memref<256x64xf32, #tpu.memory_space<vmem>>) target(%dma_start3A_29 : memref<256x64xf32, #tpu.memory_space<hbm>>) target_semaphore(%arg14 : memref<!tpu.dma_semaphore, #tpu.memory_space<semaphore_mem>>)
    %dma_wait3A_30 = arith.constant 0 : i32
    %dma_wait3A_31 = tpu.memref_slice %arg6[%add3A_14, %dma_wait3A_30] : memref<16384x64xf32, #tpu.memory_space<hbm>> -> memref<256x64xf32, #tpu.memory_space<hbm>>
    %dma_wait3A_32 = arith.constant 0 : i32
    %dma_wait3A_33 = tpu.memref_slice %arg6[%add3A_14, %dma_wait3A_32] : memref<16384x64xf32, #tpu.memory_space<hbm>> -> memref<256x64xf32, #tpu.memory_space<hbm>>
    tpu.wait_dma2 semaphore(%arg14 : memref<!tpu.dma_semaphore, #tpu.memory_space<semaphore_mem>>) src(%arg10 : memref<256x64xf32, #tpu.memory_space<vmem>>) dst(%dma_wait3A_33 : memref<256x64xf32, #tpu.memory_space<hbm>>)
    %dma_wait3A_34 = arith.constant 0 : i32
    %dma_wait3A_35 = tpu.memref_slice %arg7[%add3A_25, %dma_wait3A_34] : memref<16384x64xf32, #tpu.memory_space<hbm>> -> memref<256x64xf32, #tpu.memory_space<hbm>>
    %dma_wait3A_36 = arith.constant 0 : i32
    %dma_wait3A_37 = tpu.memref_slice %arg7[%add3A_25, %dma_wait3A_36] : memref<16384x64xf32, #tpu.memory_space<hbm>> -> memref<256x64xf32, #tpu.memory_space<hbm>>
    tpu.wait_dma2 semaphore(%arg14 : memref<!tpu.dma_semaphore, #tpu.memory_space<semaphore_mem>>) src(%arg11 : memref<256x64xf32, #tpu.memory_space<vmem>>) dst(%dma_wait3A_37 : memref<256x64xf32, #tpu.memory_space<hbm>>)
    %scan3A_38 = arith.constant 0 : i32
    %scan3A_39 = arith.constant 0 : i32
    %scan3A_40 = arith.constant 16 : i32
    %scan3A_41 = arith.addi %scan3A_39, %scan3A_40 : i32
    %scan3A_42 = arith.constant 1 : i32
    scf.for %scan3A_76 = %scan3A_39 to %scan3A_41 step %scan3A_42  : i32 {
      %mul3A_77 = arith.constant 16 : i32
      %mul3A_78 = arith.muli %scan3A_76, %mul3A_77 : i32
      %add3A_79 = arith.constant 256 : i32
      %add3A_80 = arith.addi %add3A_79, %mul3A_78 : i32
      %get3A = arith.index_cast %add3A_80 : i32 to index
      %get3A_81 = tpu.vector_load %arg8[%get3A] {strides = array<i32>} : memref<512xi32, #tpu.memory_space<vmem>>, vector<16xi32>,
      %mul3A_82 = arith.constant 16 : i32
      %mul3A_83 = arith.muli %scan3A_76, %mul3A_82 : i32
      %add3A_84 = arith.constant 256 : i32
      %add3A_85 = arith.addi %add3A_84, %mul3A_83 : i32
      %get3A_86 = arith.index_cast %add3A_85 : i32 to index
      %get3A_87 = tpu.vector_load %arg9[%get3A_86] {strides = array<i32>} : memref<512xi32, #tpu.memory_space<vmem>>, vector<16xi32>,
      %slice3A = vector.extract_strided_slice %get3A_81 {offsets = [0], sizes = [1], strides = [1]} : vector<16xi32> to vector<1xi32>
      %squeeze3A = vector.extract %slice3A[0] : i32 from vector<1xi32>
      %mul3A_88 = arith.constant 16 : i32
      %mul3A_89 = arith.muli %scan3A_76, %mul3A_88 : i32
      %add3A_90 = arith.constant 0 : i32
      %add3A_91 = arith.addi %mul3A_89, %add3A_90 : i32
      %dma_start3A_92 = arith.constant 0 : i32
      %dma_start3A_93 = tpu.memref_slice %arg10[%add3A_91, %dma_start3A_92] : memref<256x64xf32, #tpu.memory_space<vmem>> -> memref<1x64xf32, #tpu.memory_space<vmem>>
      %dma_start3A_94 = arith.constant 0 : i32
      %dma_start3A_95 = tpu.memref_slice %arg4[%squeeze3A, %dma_start3A_94] : memref<1000000x64xf32, #tpu.memory_space<hbm>> -> memref<1x64xf32, #tpu.memory_space<hbm>>
      %dma_start3A_96 = arith.constant 0 : i32
      %dma_start3A_97 = tpu.memref_slice %arg10[%add3A_91, %dma_start3A_96] : memref<256x64xf32, #tpu.memory_space<vmem>> -> memref<1x64xf32, #tpu.memory_space<vmem>>
      %dma_start3A_98 = arith.constant 0 : i32
      %dma_start3A_99 = tpu.memref_slice %arg4[%squeeze3A, %dma_start3A_98] : memref<1000000x64xf32, #tpu.memory_space<hbm>> -> memref<1x64xf32, #tpu.memory_space<hbm>>
      tpu.enqueue_dma source(%dma_start3A_99 : memref<1x64xf32, #tpu.memory_space<hbm>>) target(%dma_start3A_97 : memref<1x64xf32, #tpu.memory_space<vmem>>) target_semaphore(%arg12 : memref<!tpu.dma_semaphore, #tpu.memory_space<semaphore_mem>>)
      %slice3A_100 = vector.extract_strided_slice %get3A_87 {offsets = [0], sizes = [1], strides = [1]} : vector<16xi32> to vector<1xi32>
      %squeeze3A_101 = vector.extract %slice3A_100[0] : i32 from vector<1xi32>
      %mul3A_102 = arith.constant 16 : i32
      %mul3A_103 = arith.muli %scan3A_76, %mul3A_102 : i32
      %add3A_104 = arith.constant 0 : i32
      %add3A_105 = arith.addi %mul3A_103, %add3A_104 : i32
      %dma_start3A_106 = arith.constant 0 : i32
      %dma_start3A_107 = tpu.memref_slice %arg11[%add3A_105, %dma_start3A_106] : memref<256x64xf32, #tpu.memory_space<vmem>> -> memref<1x64xf32, #tpu.memory_space<vmem>>
      %dma_start3A_108 = arith.constant 0 : i32
      %dma_start3A_109 = tpu.memref_slice %arg5[%squeeze3A_101, %dma_start3A_108] : memref<1000000x64xf32, #tpu.memory_space<hbm>> -> memref<1x64xf32, #tpu.memory_space<hbm>>
      %dma_start3A_110 = arith.constant 0 : i32
      %dma_start3A_111 = tpu.memref_slice %arg11[%add3A_105, %dma_start3A_110] : memref<256x64xf32, #tpu.memory_space<vmem>> -> memref<1x64xf32, #tpu.memory_space<vmem>>
      %dma_start3A_112 = arith.constant 0 : i32
      %dma_start3A_113 = tpu.memref_slice %arg5[%squeeze3A_101, %dma_start3A_112] : memref<1000000x64xf32, #tpu.memory_space<hbm>> -> memref<1x64xf32, #tpu.memory_space<hbm>>
      tpu.enqueue_dma source(%dma_start3A_113 : memref<1x64xf32, #tpu.memory_space<hbm>>) target(%dma_start3A_111 : memref<1x64xf32, #tpu.memory_space<vmem>>) target_semaphore(%arg13 : memref<!tpu.dma_semaphore, #tpu.memory_space<semaphore_mem>>)
      %slice3A_114 = vector.extract_strided_slice %get3A_81 {offsets = [1], sizes = [1], strides = [1]} : vector<16xi32> to vector<1xi32>
      %squeeze3A_115 = vector.extract %slice3A_114[0] : i32 from vector<1xi32>
      %mul3A_116 = arith.constant 16 : i32
      %mul3A_117 = arith.muli %scan3A_76, %mul3A_116 : i32
      %add3A_118 = arith.constant 1 : i32
      %add3A_119 = arith.addi %mul3A_117, %add3A_118 : i32
      %dma_start3A_120 = arith.constant 0 : i32
      %dma_start3A_121 = tpu.memref_slice %arg10[%add3A_119, %dma_start3A_120] : memref<256x64xf32, #tpu.memory_space<vmem>> -> memref<1x64xf32, #tpu.memory_space<vmem>>
      %dma_start3A_122 = arith.constant 0 : i32
      %dma_start3A_123 = tpu.memref_slice %arg4[%squeeze3A_115, %dma_start3A_122] : memref<1000000x64xf32, #tpu.memory_space<hbm>> -> memref<1x64xf32, #tpu.memory_space<hbm>>
      %dma_start3A_124 = arith.constant 0 : i32
      %dma_start3A_125 = tpu.memref_slice %arg10[%add3A_119, %dma_start3A_124] : memref<256x64xf32, #tpu.memory_space<vmem>> -> memref<1x64xf32, #tpu.memory_space<vmem>>
      %dma_start3A_126 = arith.constant 0 : i32
      %dma_start3A_127 = tpu.memref_slice %arg4[%squeeze3A_115, %dma_start3A_126] : memref<1000000x64xf32, #tpu.memory_space<hbm>> -> memref<1x64xf32, #tpu.memory_space<hbm>>
      tpu.enqueue_dma source(%dma_start3A_127 : memref<1x64xf32, #tpu.memory_space<hbm>>) target(%dma_start3A_125 : memref<1x64xf32, #tpu.memory_space<vmem>>) target_semaphore(%arg12 : memref<!tpu.dma_semaphore, #tpu.memory_space<semaphore_mem>>)
      %slice3A_128 = vector.extract_strided_slice %get3A_87 {offsets = [1], sizes = [1], strides = [1]} : vector<16xi32> to vector<1xi32>
      %squeeze3A_129 = vector.extract %slice3A_128[0] : i32 from vector<1xi32>
      %mul3A_130 = arith.constant 16 : i32
      %mul3A_131 = arith.muli %scan3A_76, %mul3A_130 : i32
      %add3A_132 = arith.constant 1 : i32
      %add3A_133 = arith.addi %mul3A_131, %add3A_132 : i32
      %dma_start3A_134 = arith.constant 0 : i32
      %dma_start3A_135 = tpu.memref_slice %arg11[%add3A_133, %dma_start3A_134] : memref<256x64xf32, #tpu.memory_space<vmem>> -> memref<1x64xf32, #tpu.memory_space<vmem>>
      %dma_start3A_136 = arith.constant 0 : i32
      %dma_start3A_137 = tpu.memref_slice %arg5[%squeeze3A_129, %dma_start3A_136] : memref<1000000x64xf32, #tpu.memory_space<hbm>> -> memref<1x64xf32, #tpu.memory_space<hbm>>
      %dma_start3A_138 = arith.constant 0 : i32
      %dma_start3A_139 = tpu.memref_slice %arg11[%add3A_133, %dma_start3A_138] : memref<256x64xf32, #tpu.memory_space<vmem>> -> memref<1x64xf32, #tpu.memory_space<vmem>>
      %dma_start3A_140 = arith.constant 0 : i32
      %dma_start3A_141 = tpu.memref_slice %arg5[%squeeze3A_129, %dma_start3A_140] : memref<1000000x64xf32, #tpu.memory_space<hbm>> -> memref<1x64xf32, #tpu.memory_space<hbm>>
      tpu.enqueue_dma source(%dma_start3A_141 : memref<1x64xf32, #tpu.memory_space<hbm>>) target(%dma_start3A_139 : memref<1x64xf32, #tpu.memory_space<vmem>>) target_semaphore(%arg13 : memref<!tpu.dma_semaphore, #tpu.memory_space<semaphore_mem>>)
      %slice3A_142 = vector.extract_strided_slice %get3A_81 {offsets = [2], sizes = [1], strides = [1]} : vector<16xi32> to vector<1xi32>
      %squeeze3A_143 = vector.extract %slice3A_142[0] : i32 from vector<1xi32>
      %mul3A_144 = arith.constant 16 : i32
      %mul3A_145 = arith.muli %scan3A_76, %mul3A_144 : i32
      %add3A_146 = arith.constant 2 : i32
      %add3A_147 = arith.addi %mul3A_145, %add3A_146 : i32
      %dma_start3A_148 = arith.constant 0 : i32
      %dma_start3A_149 = tpu.memref_slice %arg10[%add3A_147, %dma_start3A_148] : memref<256x64xf32, #tpu.memory_space<vmem>> -> memref<1x64xf32, #tpu.memory_space<vmem>>
      %dma_start3A_150 = arith.constant 0 : i32
      %dma_start3A_151 = tpu.memref_slice %arg4[%squeeze3A_143, %dma_start3A_150] : memref<1000000x64xf32, #tpu.memory_space<hbm>> -> memref<1x64xf32, #tpu.memory_space<hbm>>
      %dma_start3A_152 = arith.constant 0 : i32
      %dma_start3A_153 = tpu.memref_slice %arg10[%add3A_147, %dma_start3A_152] : memref<256x64xf32, #tpu.memory_space<vmem>> -> memref<1x64xf32, #tpu.memory_space<vmem>>
      %dma_start3A_154 = arith.constant 0 : i32
      %dma_start3A_155 = tpu.memref_slice %arg4[%squeeze3A_143, %dma_start3A_154] : memref<1000000x64xf32, #tpu.memory_space<hbm>> -> memref<1x64xf32, #tpu.memory_space<hbm>>
      tpu.enqueue_dma source(%dma_start3A_155 : memref<1x64xf32, #tpu.memory_space<hbm>>) target(%dma_start3A_153 : memref<1x64xf32, #tpu.memory_space<vmem>>) target_semaphore(%arg12 : memref<!tpu.dma_semaphore, #tpu.memory_space<semaphore_mem>>)
      %slice3A_156 = vector.extract_strided_slice %get3A_87 {offsets = [2], sizes = [1], strides = [1]} : vector<16xi32> to vector<1xi32>
      %squeeze3A_157 = vector.extract %slice3A_156[0] : i32 from vector<1xi32>
      %mul3A_158 = arith.constant 16 : i32
      %mul3A_159 = arith.muli %scan3A_76, %mul3A_158 : i32
      %add3A_160 = arith.constant 2 : i32
      %add3A_161 = arith.addi %mul3A_159, %add3A_160 : i32
      %dma_start3A_162 = arith.constant 0 : i32
      %dma_start3A_163 = tpu.memref_slice %arg11[%add3A_161, %dma_start3A_162] : memref<256x64xf32, #tpu.memory_space<vmem>> -> memref<1x64xf32, #tpu.memory_space<vmem>>
      %dma_start3A_164 = arith.constant 0 : i32
      %dma_start3A_165 = tpu.memref_slice %arg5[%squeeze3A_157, %dma_start3A_164] : memref<1000000x64xf32, #tpu.memory_space<hbm>> -> memref<1x64xf32, #tpu.memory_space<hbm>>
      %dma_start3A_166 = arith.constant 0 : i32
      %dma_start3A_167 = tpu.memref_slice %arg11[%add3A_161, %dma_start3A_166] : memref<256x64xf32, #tpu.memory_space<vmem>> -> memref<1x64xf32, #tpu.memory_space<vmem>>
      %dma_start3A_168 = arith.constant 0 : i32
      %dma_start3A_169 = tpu.memref_slice %arg5[%squeeze3A_157, %dma_start3A_168] : memref<1000000x64xf32, #tpu.memory_space<hbm>> -> memref<1x64xf32, #tpu.memory_space<hbm>>
      tpu.enqueue_dma source(%dma_start3A_169 : memref<1x64xf32, #tpu.memory_space<hbm>>) target(%dma_start3A_167 : memref<1x64xf32, #tpu.memory_space<vmem>>) target_semaphore(%arg13 : memref<!tpu.dma_semaphore, #tpu.memory_space<semaphore_mem>>)
      %slice3A_170 = vector.extract_strided_slice %get3A_81 {offsets = [3], sizes = [1], strides = [1]} : vector<16xi32> to vector<1xi32>
      %squeeze3A_171 = vector.extract %slice3A_170[0] : i32 from vector<1xi32>
      %mul3A_172 = arith.constant 16 : i32
      %mul3A_173 = arith.muli %scan3A_76, %mul3A_172 : i32
      %add3A_174 = arith.constant 3 : i32
      %add3A_175 = arith.addi %mul3A_173, %add3A_174 : i32
      %dma_start3A_176 = arith.constant 0 : i32
      %dma_start3A_177 = tpu.memref_slice %arg10[%add3A_175, %dma_start3A_176] : memref<256x64xf32, #tpu.memory_space<vmem>> -> memref<1x64xf32, #tpu.memory_space<vmem>>
      %dma_start3A_178 = arith.constant 0 : i32
      %dma_start3A_179 = tpu.memref_slice %arg4[%squeeze3A_171, %dma_start3A_178] : memref<1000000x64xf32, #tpu.memory_space<hbm>> -> memref<1x64xf32, #tpu.memory_space<hbm>>
      %dma_start3A_180 = arith.constant 0 : i32
      %dma_start3A_181 = tpu.memref_slice %arg10[%add3A_175, %dma_start3A_180] : memref<256x64xf32, #tpu.memory_space<vmem>> -> memref<1x64xf32, #tpu.memory_space<vmem>>
      %dma_start3A_182 = arith.constant 0 : i32
      %dma_start3A_183 = tpu.memref_slice %arg4[%squeeze3A_171, %dma_start3A_182] : memref<1000000x64xf32, #tpu.memory_space<hbm>> -> memref<1x64xf32, #tpu.memory_space<hbm>>
      tpu.enqueue_dma source(%dma_start3A_183 : memref<1x64xf32, #tpu.memory_space<hbm>>) target(%dma_start3A_181 : memref<1x64xf32, #tpu.memory_space<vmem>>) target_semaphore(%arg12 : memref<!tpu.dma_semaphore, #tpu.memory_space<semaphore_mem>>)
      %slice3A_184 = vector.extract_strided_slice %get3A_87 {offsets = [3], sizes = [1], strides = [1]} : vector<16xi32> to vector<1xi32>
      %squeeze3A_185 = vector.extract %slice3A_184[0] : i32 from vector<1xi32>
      %mul3A_186 = arith.constant 16 : i32
      %mul3A_187 = arith.muli %scan3A_76, %mul3A_186 : i32
      %add3A_188 = arith.constant 3 : i32
      %add3A_189 = arith.addi %mul3A_187, %add3A_188 : i32
      %dma_start3A_190 = arith.constant 0 : i32
      %dma_start3A_191 = tpu.memref_slice %arg11[%add3A_189, %dma_start3A_190] : memref<256x64xf32, #tpu.memory_space<vmem>> -> memref<1x64xf32, #tpu.memory_space<vmem>>
      %dma_start3A_192 = arith.constant 0 : i32
      %dma_start3A_193 = tpu.memref_slice %arg5[%squeeze3A_185, %dma_start3A_192] : memref<1000000x64xf32, #tpu.memory_space<hbm>> -> memref<1x64xf32, #tpu.memory_space<hbm>>
      %dma_start3A_194 = arith.constant 0 : i32
      %dma_start3A_195 = tpu.memref_slice %arg11[%add3A_189, %dma_start3A_194] : memref<256x64xf32, #tpu.memory_space<vmem>> -> memref<1x64xf32, #tpu.memory_space<vmem>>
      %dma_start3A_196 = arith.constant 0 : i32
      %dma_start3A_197 = tpu.memref_slice %arg5[%squeeze3A_185, %dma_start3A_196] : memref<1000000x64xf32, #tpu.memory_space<hbm>> -> memref<1x64xf32, #tpu.memory_space<hbm>>
      tpu.enqueue_dma source(%dma_start3A_197 : memref<1x64xf32, #tpu.memory_space<hbm>>) target(%dma_start3A_195 : memref<1x64xf32, #tpu.memory_space<vmem>>) target_semaphore(%arg13 : memref<!tpu.dma_semaphore, #tpu.memory_space<semaphore_mem>>)
      %slice3A_198 = vector.extract_strided_slice %get3A_81 {offsets = [4], sizes = [1], strides = [1]} : vector<16xi32> to vector<1xi32>
      %squeeze3A_199 = vector.extract %slice3A_198[0] : i32 from vector<1xi32>
      %mul3A_200 = arith.constant 16 : i32
      %mul3A_201 = arith.muli %scan3A_76, %mul3A_200 : i32
      %add3A_202 = arith.constant 4 : i32
      %add3A_203 = arith.addi %mul3A_201, %add3A_202 : i32
      %dma_start3A_204 = arith.constant 0 : i32
      %dma_start3A_205 = tpu.memref_slice %arg10[%add3A_203, %dma_start3A_204] : memref<256x64xf32, #tpu.memory_space<vmem>> -> memref<1x64xf32, #tpu.memory_space<vmem>>
      %dma_start3A_206 = arith.constant 0 : i32
      %dma_start3A_207 = tpu.memref_slice %arg4[%squeeze3A_199, %dma_start3A_206] : memref<1000000x64xf32, #tpu.memory_space<hbm>> -> memref<1x64xf32, #tpu.memory_space<hbm>>
      %dma_start3A_208 = arith.constant 0 : i32
      %dma_start3A_209 = tpu.memref_slice %arg10[%add3A_203, %dma_start3A_208] : memref<256x64xf32, #tpu.memory_space<vmem>> -> memref<1x64xf32, #tpu.memory_space<vmem>>
      %dma_start3A_210 = arith.constant 0 : i32
      %dma_start3A_211 = tpu.memref_slice %arg4[%squeeze3A_199, %dma_start3A_210] : memref<1000000x64xf32, #tpu.memory_space<hbm>> -> memref<1x64xf32, #tpu.memory_space<hbm>>
      tpu.enqueue_dma source(%dma_start3A_211 : memref<1x64xf32, #tpu.memory_space<hbm>>) target(%dma_start3A_209 : memref<1x64xf32, #tpu.memory_space<vmem>>) target_semaphore(%arg12 : memref<!tpu.dma_semaphore, #tpu.memory_space<semaphore_mem>>)
      %slice3A_212 = vector.extract_strided_slice %get3A_87 {offsets = [4], sizes = [1], strides = [1]} : vector<16xi32> to vector<1xi32>
      %squeeze3A_213 = vector.extract %slice3A_212[0] : i32 from vector<1xi32>
      %mul3A_214 = arith.constant 16 : i32
      %mul3A_215 = arith.muli %scan3A_76, %mul3A_214 : i32
      %add3A_216 = arith.constant 4 : i32
      %add3A_217 = arith.addi %mul3A_215, %add3A_216 : i32
      %dma_start3A_218 = arith.constant 0 : i32
      %dma_start3A_219 = tpu.memref_slice %arg11[%add3A_217, %dma_start3A_218] : memref<256x64xf32, #tpu.memory_space<vmem>> -> memref<1x64xf32, #tpu.memory_space<vmem>>
      %dma_start3A_220 = arith.constant 0 : i32
      %dma_start3A_221 = tpu.memref_slice %arg5[%squeeze3A_213, %dma_start3A_220] : memref<1000000x64xf32, #tpu.memory_space<hbm>> -> memref<1x64xf32, #tpu.memory_space<hbm>>
      %dma_start3A_222 = arith.constant 0 : i32
      %dma_start3A_223 = tpu.memref_slice %arg11[%add3A_217, %dma_start3A_222] : memref<256x64xf32, #tpu.memory_space<vmem>> -> memref<1x64xf32, #tpu.memory_space<vmem>>
      %dma_start3A_224 = arith.constant 0 : i32
      %dma_start3A_225 = tpu.memref_slice %arg5[%squeeze3A_213, %dma_start3A_224] : memref<1000000x64xf32, #tpu.memory_space<hbm>> -> memref<1x64xf32, #tpu.memory_space<hbm>>
      tpu.enqueue_dma source(%dma_start3A_225 : memref<1x64xf32, #tpu.memory_space<hbm>>) target(%dma_start3A_223 : memref<1x64xf32, #tpu.memory_space<vmem>>) target_semaphore(%arg13 : memref<!tpu.dma_semaphore, #tpu.memory_space<semaphore_mem>>)
      %slice3A_226 = vector.extract_strided_slice %get3A_81 {offsets = [5], sizes = [1], strides = [1]} : vector<16xi32> to vector<1xi32>
      %squeeze3A_227 = vector.extract %slice3A_226[0] : i32 from vector<1xi32>
      %mul3A_228 = arith.constant 16 : i32
      %mul3A_229 = arith.muli %scan3A_76, %mul3A_228 : i32
      %add3A_230 = arith.constant 5 : i32
      %add3A_231 = arith.addi %mul3A_229, %add3A_230 : i32
      %dma_start3A_232 = arith.constant 0 : i32
      %dma_start3A_233 = tpu.memref_slice %arg10[%add3A_231, %dma_start3A_232] : memref<256x64xf32, #tpu.memory_space<vmem>> -> memref<1x64xf32, #tpu.memory_space<vmem>>
      %dma_start3A_234 = arith.constant 0 : i32
      %dma_start3A_235 = tpu.memref_slice %arg4[%squeeze3A_227, %dma_start3A_234] : memref<1000000x64xf32, #tpu.memory_space<hbm>> -> memref<1x64xf32, #tpu.memory_space<hbm>>
      %dma_start3A_236 = arith.constant 0 : i32
      %dma_start3A_237 = tpu.memref_slice %arg10[%add3A_231, %dma_start3A_236] : memref<256x64xf32, #tpu.memory_space<vmem>> -> memref<1x64xf32, #tpu.memory_space<vmem>>
      %dma_start3A_238 = arith.constant 0 : i32
      %dma_start3A_239 = tpu.memref_slice %arg4[%squeeze3A_227, %dma_start3A_238] : memref<1000000x64xf32, #tpu.memory_space<hbm>> -> memref<1x64xf32, #tpu.memory_space<hbm>>
      tpu.enqueue_dma source(%dma_start3A_239 : memref<1x64xf32, #tpu.memory_space<hbm>>) target(%dma_start3A_237 : memref<1x64xf32, #tpu.memory_space<vmem>>) target_semaphore(%arg12 : memref<!tpu.dma_semaphore, #tpu.memory_space<semaphore_mem>>)
      %slice3A_240 = vector.extract_strided_slice %get3A_87 {offsets = [5], sizes = [1], strides = [1]} : vector<16xi32> to vector<1xi32>
      %squeeze3A_241 = vector.extract %slice3A_240[0] : i32 from vector<1xi32>
      %mul3A_242 = arith.constant 16 : i32
      %mul3A_243 = arith.muli %scan3A_76, %mul3A_242 : i32
      %add3A_244 = arith.constant 5 : i32
      %add3A_245 = arith.addi %mul3A_243, %add3A_244 : i32
      %dma_start3A_246 = arith.constant 0 : i32
      %dma_start3A_247 = tpu.memref_slice %arg11[%add3A_245, %dma_start3A_246] : memref<256x64xf32, #tpu.memory_space<vmem>> -> memref<1x64xf32, #tpu.memory_space<vmem>>
      %dma_start3A_248 = arith.constant 0 : i32
      %dma_start3A_249 = tpu.memref_slice %arg5[%squeeze3A_241, %dma_start3A_248] : memref<1000000x64xf32, #tpu.memory_space<hbm>> -> memref<1x64xf32, #tpu.memory_space<hbm>>
      %dma_start3A_250 = arith.constant 0 : i32
      %dma_start3A_251 = tpu.memref_slice %arg11[%add3A_245, %dma_start3A_250] : memref<256x64xf32, #tpu.memory_space<vmem>> -> memref<1x64xf32, #tpu.memory_space<vmem>>
      %dma_start3A_252 = arith.constant 0 : i32
      %dma_start3A_253 = tpu.memref_slice %arg5[%squeeze3A_241, %dma_start3A_252] : memref<1000000x64xf32, #tpu.memory_space<hbm>> -> memref<1x64xf32, #tpu.memory_space<hbm>>
      tpu.enqueue_dma source(%dma_start3A_253 : memref<1x64xf32, #tpu.memory_space<hbm>>) target(%dma_start3A_251 : memref<1x64xf32, #tpu.memory_space<vmem>>) target_semaphore(%arg13 : memref<!tpu.dma_semaphore, #tpu.memory_space<semaphore_mem>>)
      %slice3A_254 = vector.extract_strided_slice %get3A_81 {offsets = [6], sizes = [1], strides = [1]} : vector<16xi32> to vector<1xi32>
      %squeeze3A_255 = vector.extract %slice3A_254[0] : i32 from vector<1xi32>
      %mul3A_256 = arith.constant 16 : i32
      %mul3A_257 = arith.muli %scan3A_76, %mul3A_256 : i32
      %add3A_258 = arith.constant 6 : i32
      %add3A_259 = arith.addi %mul3A_257, %add3A_258 : i32
      %dma_start3A_260 = arith.constant 0 : i32
      %dma_start3A_261 = tpu.memref_slice %arg10[%add3A_259, %dma_start3A_260] : memref<256x64xf32, #tpu.memory_space<vmem>> -> memref<1x64xf32, #tpu.memory_space<vmem>>
      %dma_start3A_262 = arith.constant 0 : i32
      %dma_start3A_263 = tpu.memref_slice %arg4[%squeeze3A_255, %dma_start3A_262] : memref<1000000x64xf32, #tpu.memory_space<hbm>> -> memref<1x64xf32, #tpu.memory_space<hbm>>
      %dma_start3A_264 = arith.constant 0 : i32
      %dma_start3A_265 = tpu.memref_slice %arg10[%add3A_259, %dma_start3A_264] : memref<256x64xf32, #tpu.memory_space<vmem>> -> memref<1x64xf32, #tpu.memory_space<vmem>>
      %dma_start3A_266 = arith.constant 0 : i32
      %dma_start3A_267 = tpu.memref_slice %arg4[%squeeze3A_255, %dma_start3A_266] : memref<1000000x64xf32, #tpu.memory_space<hbm>> -> memref<1x64xf32, #tpu.memory_space<hbm>>
      tpu.enqueue_dma source(%dma_start3A_267 : memref<1x64xf32, #tpu.memory_space<hbm>>) target(%dma_start3A_265 : memref<1x64xf32, #tpu.memory_space<vmem>>) target_semaphore(%arg12 : memref<!tpu.dma_semaphore, #tpu.memory_space<semaphore_mem>>)
      %slice3A_268 = vector.extract_strided_slice %get3A_87 {offsets = [6], sizes = [1], strides = [1]} : vector<16xi32> to vector<1xi32>
      %squeeze3A_269 = vector.extract %slice3A_268[0] : i32 from vector<1xi32>
      %mul3A_270 = arith.constant 16 : i32
      %mul3A_271 = arith.muli %scan3A_76, %mul3A_270 : i32
      %add3A_272 = arith.constant 6 : i32
      %add3A_273 = arith.addi %mul3A_271, %add3A_272 : i32
      %dma_start3A_274 = arith.constant 0 : i32
      %dma_start3A_275 = tpu.memref_slice %arg11[%add3A_273, %dma_start3A_274] : memref<256x64xf32, #tpu.memory_space<vmem>> -> memref<1x64xf32, #tpu.memory_space<vmem>>
      %dma_start3A_276 = arith.constant 0 : i32
      %dma_start3A_277 = tpu.memref_slice %arg5[%squeeze3A_269, %dma_start3A_276] : memref<1000000x64xf32, #tpu.memory_space<hbm>> -> memref<1x64xf32, #tpu.memory_space<hbm>>
      %dma_start3A_278 = arith.constant 0 : i32
      %dma_start3A_279 = tpu.memref_slice %arg11[%add3A_273, %dma_start3A_278] : memref<256x64xf32, #tpu.memory_space<vmem>> -> memref<1x64xf32, #tpu.memory_space<vmem>>
      %dma_start3A_280 = arith.constant 0 : i32
      %dma_start3A_281 = tpu.memref_slice %arg5[%squeeze3A_269, %dma_start3A_280] : memref<1000000x64xf32, #tpu.memory_space<hbm>> -> memref<1x64xf32, #tpu.memory_space<hbm>>
      tpu.enqueue_dma source(%dma_start3A_281 : memref<1x64xf32, #tpu.memory_space<hbm>>) target(%dma_start3A_279 : memref<1x64xf32, #tpu.memory_space<vmem>>) target_semaphore(%arg13 : memref<!tpu.dma_semaphore, #tpu.memory_space<semaphore_mem>>)
      %slice3A_282 = vector.extract_strided_slice %get3A_81 {offsets = [7], sizes = [1], strides = [1]} : vector<16xi32> to vector<1xi32>
      %squeeze3A_283 = vector.extract %slice3A_282[0] : i32 from vector<1xi32>
      %mul3A_284 = arith.constant 16 : i32
      %mul3A_285 = arith.muli %scan3A_76, %mul3A_284 : i32
      %add3A_286 = arith.constant 7 : i32
      %add3A_287 = arith.addi %mul3A_285, %add3A_286 : i32
      %dma_start3A_288 = arith.constant 0 : i32
      %dma_start3A_289 = tpu.memref_slice %arg10[%add3A_287, %dma_start3A_288] : memref<256x64xf32, #tpu.memory_space<vmem>> -> memref<1x64xf32, #tpu.memory_space<vmem>>
      %dma_start3A_290 = arith.constant 0 : i32
      %dma_start3A_291 = tpu.memref_slice %arg4[%squeeze3A_283, %dma_start3A_290] : memref<1000000x64xf32, #tpu.memory_space<hbm>> -> memref<1x64xf32, #tpu.memory_space<hbm>>
      %dma_start3A_292 = arith.constant 0 : i32
      %dma_start3A_293 = tpu.memref_slice %arg10[%add3A_287, %dma_start3A_292] : memref<256x64xf32, #tpu.memory_space<vmem>> -> memref<1x64xf32, #tpu.memory_space<vmem>>
      %dma_start3A_294 = arith.constant 0 : i32
      %dma_start3A_295 = tpu.memref_slice %arg4[%squeeze3A_283, %dma_start3A_294] : memref<1000000x64xf32, #tpu.memory_space<hbm>> -> memref<1x64xf32, #tpu.memory_space<hbm>>
      tpu.enqueue_dma source(%dma_start3A_295 : memref<1x64xf32, #tpu.memory_space<hbm>>) target(%dma_start3A_293 : memref<1x64xf32, #tpu.memory_space<vmem>>) target_semaphore(%arg12 : memref<!tpu.dma_semaphore, #tpu.memory_space<semaphore_mem>>)
      %slice3A_296 = vector.extract_strided_slice %get3A_87 {offsets = [7], sizes = [1], strides = [1]} : vector<16xi32> to vector<1xi32>
      %squeeze3A_297 = vector.extract %slice3A_296[0] : i32 from vector<1xi32>
      %mul3A_298 = arith.constant 16 : i32
      %mul3A_299 = arith.muli %scan3A_76, %mul3A_298 : i32
      %add3A_300 = arith.constant 7 : i32
      %add3A_301 = arith.addi %mul3A_299, %add3A_300 : i32
      %dma_start3A_302 = arith.constant 0 : i32
      %dma_start3A_303 = tpu.memref_slice %arg11[%add3A_301, %dma_start3A_302] : memref<256x64xf32, #tpu.memory_space<vmem>> -> memref<1x64xf32, #tpu.memory_space<vmem>>
      %dma_start3A_304 = arith.constant 0 : i32
      %dma_start3A_305 = tpu.memref_slice %arg5[%squeeze3A_297, %dma_start3A_304] : memref<1000000x64xf32, #tpu.memory_space<hbm>> -> memref<1x64xf32, #tpu.memory_space<hbm>>
      %dma_start3A_306 = arith.constant 0 : i32
      %dma_start3A_307 = tpu.memref_slice %arg11[%add3A_301, %dma_start3A_306] : memref<256x64xf32, #tpu.memory_space<vmem>> -> memref<1x64xf32, #tpu.memory_space<vmem>>
      %dma_start3A_308 = arith.constant 0 : i32
      %dma_start3A_309 = tpu.memref_slice %arg5[%squeeze3A_297, %dma_start3A_308] : memref<1000000x64xf32, #tpu.memory_space<hbm>> -> memref<1x64xf32, #tpu.memory_space<hbm>>
      tpu.enqueue_dma source(%dma_start3A_309 : memref<1x64xf32, #tpu.memory_space<hbm>>) target(%dma_start3A_307 : memref<1x64xf32, #tpu.memory_space<vmem>>) target_semaphore(%arg13 : memref<!tpu.dma_semaphore, #tpu.memory_space<semaphore_mem>>)
      %slice3A_310 = vector.extract_strided_slice %get3A_81 {offsets = [8], sizes = [1], strides = [1]} : vector<16xi32> to vector<1xi32>
      %squeeze3A_311 = vector.extract %slice3A_310[0] : i32 from vector<1xi32>
      %mul3A_312 = arith.constant 16 : i32
      %mul3A_313 = arith.muli %scan3A_76, %mul3A_312 : i32
      %add3A_314 = arith.constant 8 : i32
      %add3A_315 = arith.addi %mul3A_313, %add3A_314 : i32
      %dma_start3A_316 = arith.constant 0 : i32
      %dma_start3A_317 = tpu.memref_slice %arg10[%add3A_315, %dma_start3A_316] : memref<256x64xf32, #tpu.memory_space<vmem>> -> memref<1x64xf32, #tpu.memory_space<vmem>>
      %dma_start3A_318 = arith.constant 0 : i32
      %dma_start3A_319 = tpu.memref_slice %arg4[%squeeze3A_311, %dma_start3A_318] : memref<1000000x64xf32, #tpu.memory_space<hbm>> -> memref<1x64xf32, #tpu.memory_space<hbm>>
      %dma_start3A_320 = arith.constant 0 : i32
      %dma_start3A_321 = tpu.memref_slice %arg10[%add3A_315, %dma_start3A_320] : memref<256x64xf32, #tpu.memory_space<vmem>> -> memref<1x64xf32, #tpu.memory_space<vmem>>
      %dma_start3A_322 = arith.constant 0 : i32
      %dma_start3A_323 = tpu.memref_slice %arg4[%squeeze3A_311, %dma_start3A_322] : memref<1000000x64xf32, #tpu.memory_space<hbm>> -> memref<1x64xf32, #tpu.memory_space<hbm>>
      tpu.enqueue_dma source(%dma_start3A_323 : memref<1x64xf32, #tpu.memory_space<hbm>>) target(%dma_start3A_321 : memref<1x64xf32, #tpu.memory_space<vmem>>) target_semaphore(%arg12 : memref<!tpu.dma_semaphore, #tpu.memory_space<semaphore_mem>>)
      %slice3A_324 = vector.extract_strided_slice %get3A_87 {offsets = [8], sizes = [1], strides = [1]} : vector<16xi32> to vector<1xi32>
      %squeeze3A_325 = vector.extract %slice3A_324[0] : i32 from vector<1xi32>
      %mul3A_326 = arith.constant 16 : i32
      %mul3A_327 = arith.muli %scan3A_76, %mul3A_326 : i32
      %add3A_328 = arith.constant 8 : i32
      %add3A_329 = arith.addi %mul3A_327, %add3A_328 : i32
      %dma_start3A_330 = arith.constant 0 : i32
      %dma_start3A_331 = tpu.memref_slice %arg11[%add3A_329, %dma_start3A_330] : memref<256x64xf32, #tpu.memory_space<vmem>> -> memref<1x64xf32, #tpu.memory_space<vmem>>
      %dma_start3A_332 = arith.constant 0 : i32
      %dma_start3A_333 = tpu.memref_slice %arg5[%squeeze3A_325, %dma_start3A_332] : memref<1000000x64xf32, #tpu.memory_space<hbm>> -> memref<1x64xf32, #tpu.memory_space<hbm>>
      %dma_start3A_334 = arith.constant 0 : i32
      %dma_start3A_335 = tpu.memref_slice %arg11[%add3A_329, %dma_start3A_334] : memref<256x64xf32, #tpu.memory_space<vmem>> -> memref<1x64xf32, #tpu.memory_space<vmem>>
      %dma_start3A_336 = arith.constant 0 : i32
      %dma_start3A_337 = tpu.memref_slice %arg5[%squeeze3A_325, %dma_start3A_336] : memref<1000000x64xf32, #tpu.memory_space<hbm>> -> memref<1x64xf32, #tpu.memory_space<hbm>>
      tpu.enqueue_dma source(%dma_start3A_337 : memref<1x64xf32, #tpu.memory_space<hbm>>) target(%dma_start3A_335 : memref<1x64xf32, #tpu.memory_space<vmem>>) target_semaphore(%arg13 : memref<!tpu.dma_semaphore, #tpu.memory_space<semaphore_mem>>)
      %slice3A_338 = vector.extract_strided_slice %get3A_81 {offsets = [9], sizes = [1], strides = [1]} : vector<16xi32> to vector<1xi32>
      %squeeze3A_339 = vector.extract %slice3A_338[0] : i32 from vector<1xi32>
      %mul3A_340 = arith.constant 16 : i32
      %mul3A_341 = arith.muli %scan3A_76, %mul3A_340 : i32
      %add3A_342 = arith.constant 9 : i32
      %add3A_343 = arith.addi %mul3A_341, %add3A_342 : i32
      %dma_start3A_344 = arith.constant 0 : i32
      %dma_start3A_345 = tpu.memref_slice %arg10[%add3A_343, %dma_start3A_344] : memref<256x64xf32, #tpu.memory_space<vmem>> -> memref<1x64xf32, #tpu.memory_space<vmem>>
      %dma_start3A_346 = arith.constant 0 : i32
      %dma_start3A_347 = tpu.memref_slice %arg4[%squeeze3A_339, %dma_start3A_346] : memref<1000000x64xf32, #tpu.memory_space<hbm>> -> memref<1x64xf32, #tpu.memory_space<hbm>>
      %dma_start3A_348 = arith.constant 0 : i32
      %dma_start3A_349 = tpu.memref_slice %arg10[%add3A_343, %dma_start3A_348] : memref<256x64xf32, #tpu.memory_space<vmem>> -> memref<1x64xf32, #tpu.memory_space<vmem>>
      %dma_start3A_350 = arith.constant 0 : i32
      %dma_start3A_351 = tpu.memref_slice %arg4[%squeeze3A_339, %dma_start3A_350] : memref<1000000x64xf32, #tpu.memory_space<hbm>> -> memref<1x64xf32, #tpu.memory_space<hbm>>
      tpu.enqueue_dma source(%dma_start3A_351 : memref<1x64xf32, #tpu.memory_space<hbm>>) target(%dma_start3A_349 : memref<1x64xf32, #tpu.memory_space<vmem>>) target_semaphore(%arg12 : memref<!tpu.dma_semaphore, #tpu.memory_space<semaphore_mem>>)
      %slice3A_352 = vector.extract_strided_slice %get3A_87 {offsets = [9], sizes = [1], strides = [1]} : vector<16xi32> to vector<1xi32>
      %squeeze3A_353 = vector.extract %slice3A_352[0] : i32 from vector<1xi32>
      %mul3A_354 = arith.constant 16 : i32
      %mul3A_355 = arith.muli %scan3A_76, %mul3A_354 : i32
      %add3A_356 = arith.constant 9 : i32
      %add3A_357 = arith.addi %mul3A_355, %add3A_356 : i32
      %dma_start3A_358 = arith.constant 0 : i32
      %dma_start3A_359 = tpu.memref_slice %arg11[%add3A_357, %dma_start3A_358] : memref<256x64xf32, #tpu.memory_space<vmem>> -> memref<1x64xf32, #tpu.memory_space<vmem>>
      %dma_start3A_360 = arith.constant 0 : i32
      %dma_start3A_361 = tpu.memref_slice %arg5[%squeeze3A_353, %dma_start3A_360] : memref<1000000x64xf32, #tpu.memory_space<hbm>> -> memref<1x64xf32, #tpu.memory_space<hbm>>
      %dma_start3A_362 = arith.constant 0 : i32
      %dma_start3A_363 = tpu.memref_slice %arg11[%add3A_357, %dma_start3A_362] : memref<256x64xf32, #tpu.memory_space<vmem>> -> memref<1x64xf32, #tpu.memory_space<vmem>>
      %dma_start3A_364 = arith.constant 0 : i32
      %dma_start3A_365 = tpu.memref_slice %arg5[%squeeze3A_353, %dma_start3A_364] : memref<1000000x64xf32, #tpu.memory_space<hbm>> -> memref<1x64xf32, #tpu.memory_space<hbm>>
      tpu.enqueue_dma source(%dma_start3A_365 : memref<1x64xf32, #tpu.memory_space<hbm>>) target(%dma_start3A_363 : memref<1x64xf32, #tpu.memory_space<vmem>>) target_semaphore(%arg13 : memref<!tpu.dma_semaphore, #tpu.memory_space<semaphore_mem>>)
      %slice3A_366 = vector.extract_strided_slice %get3A_81 {offsets = [10], sizes = [1], strides = [1]} : vector<16xi32> to vector<1xi32>
      %squeeze3A_367 = vector.extract %slice3A_366[0] : i32 from vector<1xi32>
      %mul3A_368 = arith.constant 16 : i32
      %mul3A_369 = arith.muli %scan3A_76, %mul3A_368 : i32
      %add3A_370 = arith.constant 10 : i32
      %add3A_371 = arith.addi %mul3A_369, %add3A_370 : i32
      %dma_start3A_372 = arith.constant 0 : i32
      %dma_start3A_373 = tpu.memref_slice %arg10[%add3A_371, %dma_start3A_372] : memref<256x64xf32, #tpu.memory_space<vmem>> -> memref<1x64xf32, #tpu.memory_space<vmem>>
      %dma_start3A_374 = arith.constant 0 : i32
      %dma_start3A_375 = tpu.memref_slice %arg4[%squeeze3A_367, %dma_start3A_374] : memref<1000000x64xf32, #tpu.memory_space<hbm>> -> memref<1x64xf32, #tpu.memory_space<hbm>>
      %dma_start3A_376 = arith.constant 0 : i32
      %dma_start3A_377 = tpu.memref_slice %arg10[%add3A_371, %dma_start3A_376] : memref<256x64xf32, #tpu.memory_space<vmem>> -> memref<1x64xf32, #tpu.memory_space<vmem>>
      %dma_start3A_378 = arith.constant 0 : i32
      %dma_start3A_379 = tpu.memref_slice %arg4[%squeeze3A_367, %dma_start3A_378] : memref<1000000x64xf32, #tpu.memory_space<hbm>> -> memref<1x64xf32, #tpu.memory_space<hbm>>
      tpu.enqueue_dma source(%dma_start3A_379 : memref<1x64xf32, #tpu.memory_space<hbm>>) target(%dma_start3A_377 : memref<1x64xf32, #tpu.memory_space<vmem>>) target_semaphore(%arg12 : memref<!tpu.dma_semaphore, #tpu.memory_space<semaphore_mem>>)
      %slice3A_380 = vector.extract_strided_slice %get3A_87 {offsets = [10], sizes = [1], strides = [1]} : vector<16xi32> to vector<1xi32>
      %squeeze3A_381 = vector.extract %slice3A_380[0] : i32 from vector<1xi32>
      %mul3A_382 = arith.constant 16 : i32
      %mul3A_383 = arith.muli %scan3A_76, %mul3A_382 : i32
      %add3A_384 = arith.constant 10 : i32
      %add3A_385 = arith.addi %mul3A_383, %add3A_384 : i32
      %dma_start3A_386 = arith.constant 0 : i32
      %dma_start3A_387 = tpu.memref_slice %arg11[%add3A_385, %dma_start3A_386] : memref<256x64xf32, #tpu.memory_space<vmem>> -> memref<1x64xf32, #tpu.memory_space<vmem>>
      %dma_start3A_388 = arith.constant 0 : i32
      %dma_start3A_389 = tpu.memref_slice %arg5[%squeeze3A_381, %dma_start3A_388] : memref<1000000x64xf32, #tpu.memory_space<hbm>> -> memref<1x64xf32, #tpu.memory_space<hbm>>
      %dma_start3A_390 = arith.constant 0 : i32
      %dma_start3A_391 = tpu.memref_slice %arg11[%add3A_385, %dma_start3A_390] : memref<256x64xf32, #tpu.memory_space<vmem>> -> memref<1x64xf32, #tpu.memory_space<vmem>>
      %dma_start3A_392 = arith.constant 0 : i32
      %dma_start3A_393 = tpu.memref_slice %arg5[%squeeze3A_381, %dma_start3A_392] : memref<1000000x64xf32, #tpu.memory_space<hbm>> -> memref<1x64xf32, #tpu.memory_space<hbm>>
      tpu.enqueue_dma source(%dma_start3A_393 : memref<1x64xf32, #tpu.memory_space<hbm>>) target(%dma_start3A_391 : memref<1x64xf32, #tpu.memory_space<vmem>>) target_semaphore(%arg13 : memref<!tpu.dma_semaphore, #tpu.memory_space<semaphore_mem>>)
      %slice3A_394 = vector.extract_strided_slice %get3A_81 {offsets = [11], sizes = [1], strides = [1]} : vector<16xi32> to vector<1xi32>
      %squeeze3A_395 = vector.extract %slice3A_394[0] : i32 from vector<1xi32>
      %mul3A_396 = arith.constant 16 : i32
      %mul3A_397 = arith.muli %scan3A_76, %mul3A_396 : i32
      %add3A_398 = arith.constant 11 : i32
      %add3A_399 = arith.addi %mul3A_397, %add3A_398 : i32
      %dma_start3A_400 = arith.constant 0 : i32
      %dma_start3A_401 = tpu.memref_slice %arg10[%add3A_399, %dma_start3A_400] : memref<256x64xf32, #tpu.memory_space<vmem>> -> memref<1x64xf32, #tpu.memory_space<vmem>>
      %dma_start3A_402 = arith.constant 0 : i32
      %dma_start3A_403 = tpu.memref_slice %arg4[%squeeze3A_395, %dma_start3A_402] : memref<1000000x64xf32, #tpu.memory_space<hbm>> -> memref<1x64xf32, #tpu.memory_space<hbm>>
      %dma_start3A_404 = arith.constant 0 : i32
      %dma_start3A_405 = tpu.memref_slice %arg10[%add3A_399, %dma_start3A_404] : memref<256x64xf32, #tpu.memory_space<vmem>> -> memref<1x64xf32, #tpu.memory_space<vmem>>
      %dma_start3A_406 = arith.constant 0 : i32
      %dma_start3A_407 = tpu.memref_slice %arg4[%squeeze3A_395, %dma_start3A_406] : memref<1000000x64xf32, #tpu.memory_space<hbm>> -> memref<1x64xf32, #tpu.memory_space<hbm>>
      tpu.enqueue_dma source(%dma_start3A_407 : memref<1x64xf32, #tpu.memory_space<hbm>>) target(%dma_start3A_405 : memref<1x64xf32, #tpu.memory_space<vmem>>) target_semaphore(%arg12 : memref<!tpu.dma_semaphore, #tpu.memory_space<semaphore_mem>>)
      %slice3A_408 = vector.extract_strided_slice %get3A_87 {offsets = [11], sizes = [1], strides = [1]} : vector<16xi32> to vector<1xi32>
      %squeeze3A_409 = vector.extract %slice3A_408[0] : i32 from vector<1xi32>
      %mul3A_410 = arith.constant 16 : i32
      %mul3A_411 = arith.muli %scan3A_76, %mul3A_410 : i32
      %add3A_412 = arith.constant 11 : i32
      %add3A_413 = arith.addi %mul3A_411, %add3A_412 : i32
      %dma_start3A_414 = arith.constant 0 : i32
      %dma_start3A_415 = tpu.memref_slice %arg11[%add3A_413, %dma_start3A_414] : memref<256x64xf32, #tpu.memory_space<vmem>> -> memref<1x64xf32, #tpu.memory_space<vmem>>
      %dma_start3A_416 = arith.constant 0 : i32
      %dma_start3A_417 = tpu.memref_slice %arg5[%squeeze3A_409, %dma_start3A_416] : memref<1000000x64xf32, #tpu.memory_space<hbm>> -> memref<1x64xf32, #tpu.memory_space<hbm>>
      %dma_start3A_418 = arith.constant 0 : i32
      %dma_start3A_419 = tpu.memref_slice %arg11[%add3A_413, %dma_start3A_418] : memref<256x64xf32, #tpu.memory_space<vmem>> -> memref<1x64xf32, #tpu.memory_space<vmem>>
      %dma_start3A_420 = arith.constant 0 : i32
      %dma_start3A_421 = tpu.memref_slice %arg5[%squeeze3A_409, %dma_start3A_420] : memref<1000000x64xf32, #tpu.memory_space<hbm>> -> memref<1x64xf32, #tpu.memory_space<hbm>>
      tpu.enqueue_dma source(%dma_start3A_421 : memref<1x64xf32, #tpu.memory_space<hbm>>) target(%dma_start3A_419 : memref<1x64xf32, #tpu.memory_space<vmem>>) target_semaphore(%arg13 : memref<!tpu.dma_semaphore, #tpu.memory_space<semaphore_mem>>)
      %slice3A_422 = vector.extract_strided_slice %get3A_81 {offsets = [12], sizes = [1], strides = [1]} : vector<16xi32> to vector<1xi32>
      %squeeze3A_423 = vector.extract %slice3A_422[0] : i32 from vector<1xi32>
      %mul3A_424 = arith.constant 16 : i32
      %mul3A_425 = arith.muli %scan3A_76, %mul3A_424 : i32
      %add3A_426 = arith.constant 12 : i32
      %add3A_427 = arith.addi %mul3A_425, %add3A_426 : i32
      %dma_start3A_428 = arith.constant 0 : i32
      %dma_start3A_429 = tpu.memref_slice %arg10[%add3A_427, %dma_start3A_428] : memref<256x64xf32, #tpu.memory_space<vmem>> -> memref<1x64xf32, #tpu.memory_space<vmem>>
      %dma_start3A_430 = arith.constant 0 : i32
      %dma_start3A_431 = tpu.memref_slice %arg4[%squeeze3A_423, %dma_start3A_430] : memref<1000000x64xf32, #tpu.memory_space<hbm>> -> memref<1x64xf32, #tpu.memory_space<hbm>>
      %dma_start3A_432 = arith.constant 0 : i32
      %dma_start3A_433 = tpu.memref_slice %arg10[%add3A_427, %dma_start3A_432] : memref<256x64xf32, #tpu.memory_space<vmem>> -> memref<1x64xf32, #tpu.memory_space<vmem>>
      %dma_start3A_434 = arith.constant 0 : i32
      %dma_start3A_435 = tpu.memref_slice %arg4[%squeeze3A_423, %dma_start3A_434] : memref<1000000x64xf32, #tpu.memory_space<hbm>> -> memref<1x64xf32, #tpu.memory_space<hbm>>
      tpu.enqueue_dma source(%dma_start3A_435 : memref<1x64xf32, #tpu.memory_space<hbm>>) target(%dma_start3A_433 : memref<1x64xf32, #tpu.memory_space<vmem>>) target_semaphore(%arg12 : memref<!tpu.dma_semaphore, #tpu.memory_space<semaphore_mem>>)
      %slice3A_436 = vector.extract_strided_slice %get3A_87 {offsets = [12], sizes = [1], strides = [1]} : vector<16xi32> to vector<1xi32>
      %squeeze3A_437 = vector.extract %slice3A_436[0] : i32 from vector<1xi32>
      %mul3A_438 = arith.constant 16 : i32
      %mul3A_439 = arith.muli %scan3A_76, %mul3A_438 : i32
      %add3A_440 = arith.constant 12 : i32
      %add3A_441 = arith.addi %mul3A_439, %add3A_440 : i32
      %dma_start3A_442 = arith.constant 0 : i32
      %dma_start3A_443 = tpu.memref_slice %arg11[%add3A_441, %dma_start3A_442] : memref<256x64xf32, #tpu.memory_space<vmem>> -> memref<1x64xf32, #tpu.memory_space<vmem>>
      %dma_start3A_444 = arith.constant 0 : i32
      %dma_start3A_445 = tpu.memref_slice %arg5[%squeeze3A_437, %dma_start3A_444] : memref<1000000x64xf32, #tpu.memory_space<hbm>> -> memref<1x64xf32, #tpu.memory_space<hbm>>
      %dma_start3A_446 = arith.constant 0 : i32
      %dma_start3A_447 = tpu.memref_slice %arg11[%add3A_441, %dma_start3A_446] : memref<256x64xf32, #tpu.memory_space<vmem>> -> memref<1x64xf32, #tpu.memory_space<vmem>>
      %dma_start3A_448 = arith.constant 0 : i32
      %dma_start3A_449 = tpu.memref_slice %arg5[%squeeze3A_437, %dma_start3A_448] : memref<1000000x64xf32, #tpu.memory_space<hbm>> -> memref<1x64xf32, #tpu.memory_space<hbm>>
      tpu.enqueue_dma source(%dma_start3A_449 : memref<1x64xf32, #tpu.memory_space<hbm>>) target(%dma_start3A_447 : memref<1x64xf32, #tpu.memory_space<vmem>>) target_semaphore(%arg13 : memref<!tpu.dma_semaphore, #tpu.memory_space<semaphore_mem>>)
      %slice3A_450 = vector.extract_strided_slice %get3A_81 {offsets = [13], sizes = [1], strides = [1]} : vector<16xi32> to vector<1xi32>
      %squeeze3A_451 = vector.extract %slice3A_450[0] : i32 from vector<1xi32>
      %mul3A_452 = arith.constant 16 : i32
      %mul3A_453 = arith.muli %scan3A_76, %mul3A_452 : i32
      %add3A_454 = arith.constant 13 : i32
      %add3A_455 = arith.addi %mul3A_453, %add3A_454 : i32
      %dma_start3A_456 = arith.constant 0 : i32
      %dma_start3A_457 = tpu.memref_slice %arg10[%add3A_455, %dma_start3A_456] : memref<256x64xf32, #tpu.memory_space<vmem>> -> memref<1x64xf32, #tpu.memory_space<vmem>>
      %dma_start3A_458 = arith.constant 0 : i32
      %dma_start3A_459 = tpu.memref_slice %arg4[%squeeze3A_451, %dma_start3A_458] : memref<1000000x64xf32, #tpu.memory_space<hbm>> -> memref<1x64xf32, #tpu.memory_space<hbm>>
      %dma_start3A_460 = arith.constant 0 : i32
      %dma_start3A_461 = tpu.memref_slice %arg10[%add3A_455, %dma_start3A_460] : memref<256x64xf32, #tpu.memory_space<vmem>> -> memref<1x64xf32, #tpu.memory_space<vmem>>
      %dma_start3A_462 = arith.constant 0 : i32
      %dma_start3A_463 = tpu.memref_slice %arg4[%squeeze3A_451, %dma_start3A_462] : memref<1000000x64xf32, #tpu.memory_space<hbm>> -> memref<1x64xf32, #tpu.memory_space<hbm>>
      tpu.enqueue_dma source(%dma_start3A_463 : memref<1x64xf32, #tpu.memory_space<hbm>>) target(%dma_start3A_461 : memref<1x64xf32, #tpu.memory_space<vmem>>) target_semaphore(%arg12 : memref<!tpu.dma_semaphore, #tpu.memory_space<semaphore_mem>>)
      %slice3A_464 = vector.extract_strided_slice %get3A_87 {offsets = [13], sizes = [1], strides = [1]} : vector<16xi32> to vector<1xi32>
      %squeeze3A_465 = vector.extract %slice3A_464[0] : i32 from vector<1xi32>
      %mul3A_466 = arith.constant 16 : i32
      %mul3A_467 = arith.muli %scan3A_76, %mul3A_466 : i32
      %add3A_468 = arith.constant 13 : i32
      %add3A_469 = arith.addi %mul3A_467, %add3A_468 : i32
      %dma_start3A_470 = arith.constant 0 : i32
      %dma_start3A_471 = tpu.memref_slice %arg11[%add3A_469, %dma_start3A_470] : memref<256x64xf32, #tpu.memory_space<vmem>> -> memref<1x64xf32, #tpu.memory_space<vmem>>
      %dma_start3A_472 = arith.constant 0 : i32
      %dma_start3A_473 = tpu.memref_slice %arg5[%squeeze3A_465, %dma_start3A_472] : memref<1000000x64xf32, #tpu.memory_space<hbm>> -> memref<1x64xf32, #tpu.memory_space<hbm>>
      %dma_start3A_474 = arith.constant 0 : i32
      %dma_start3A_475 = tpu.memref_slice %arg11[%add3A_469, %dma_start3A_474] : memref<256x64xf32, #tpu.memory_space<vmem>> -> memref<1x64xf32, #tpu.memory_space<vmem>>
      %dma_start3A_476 = arith.constant 0 : i32
      %dma_start3A_477 = tpu.memref_slice %arg5[%squeeze3A_465, %dma_start3A_476] : memref<1000000x64xf32, #tpu.memory_space<hbm>> -> memref<1x64xf32, #tpu.memory_space<hbm>>
      tpu.enqueue_dma source(%dma_start3A_477 : memref<1x64xf32, #tpu.memory_space<hbm>>) target(%dma_start3A_475 : memref<1x64xf32, #tpu.memory_space<vmem>>) target_semaphore(%arg13 : memref<!tpu.dma_semaphore, #tpu.memory_space<semaphore_mem>>)
      %slice3A_478 = vector.extract_strided_slice %get3A_81 {offsets = [14], sizes = [1], strides = [1]} : vector<16xi32> to vector<1xi32>
      %squeeze3A_479 = vector.extract %slice3A_478[0] : i32 from vector<1xi32>
      %mul3A_480 = arith.constant 16 : i32
      %mul3A_481 = arith.muli %scan3A_76, %mul3A_480 : i32
      %add3A_482 = arith.constant 14 : i32
      %add3A_483 = arith.addi %mul3A_481, %add3A_482 : i32
      %dma_start3A_484 = arith.constant 0 : i32
      %dma_start3A_485 = tpu.memref_slice %arg10[%add3A_483, %dma_start3A_484] : memref<256x64xf32, #tpu.memory_space<vmem>> -> memref<1x64xf32, #tpu.memory_space<vmem>>
      %dma_start3A_486 = arith.constant 0 : i32
      %dma_start3A_487 = tpu.memref_slice %arg4[%squeeze3A_479, %dma_start3A_486] : memref<1000000x64xf32, #tpu.memory_space<hbm>> -> memref<1x64xf32, #tpu.memory_space<hbm>>
      %dma_start3A_488 = arith.constant 0 : i32
      %dma_start3A_489 = tpu.memref_slice %arg10[%add3A_483, %dma_start3A_488] : memref<256x64xf32, #tpu.memory_space<vmem>> -> memref<1x64xf32, #tpu.memory_space<vmem>>
      %dma_start3A_490 = arith.constant 0 : i32
      %dma_start3A_491 = tpu.memref_slice %arg4[%squeeze3A_479, %dma_start3A_490] : memref<1000000x64xf32, #tpu.memory_space<hbm>> -> memref<1x64xf32, #tpu.memory_space<hbm>>
      tpu.enqueue_dma source(%dma_start3A_491 : memref<1x64xf32, #tpu.memory_space<hbm>>) target(%dma_start3A_489 : memref<1x64xf32, #tpu.memory_space<vmem>>) target_semaphore(%arg12 : memref<!tpu.dma_semaphore, #tpu.memory_space<semaphore_mem>>)
      %slice3A_492 = vector.extract_strided_slice %get3A_87 {offsets = [14], sizes = [1], strides = [1]} : vector<16xi32> to vector<1xi32>
      %squeeze3A_493 = vector.extract %slice3A_492[0] : i32 from vector<1xi32>
      %mul3A_494 = arith.constant 16 : i32
      %mul3A_495 = arith.muli %scan3A_76, %mul3A_494 : i32
      %add3A_496 = arith.constant 14 : i32
      %add3A_497 = arith.addi %mul3A_495, %add3A_496 : i32
      %dma_start3A_498 = arith.constant 0 : i32
      %dma_start3A_499 = tpu.memref_slice %arg11[%add3A_497, %dma_start3A_498] : memref<256x64xf32, #tpu.memory_space<vmem>> -> memref<1x64xf32, #tpu.memory_space<vmem>>
      %dma_start3A_500 = arith.constant 0 : i32
      %dma_start3A_501 = tpu.memref_slice %arg5[%squeeze3A_493, %dma_start3A_500] : memref<1000000x64xf32, #tpu.memory_space<hbm>> -> memref<1x64xf32, #tpu.memory_space<hbm>>
      %dma_start3A_502 = arith.constant 0 : i32
      %dma_start3A_503 = tpu.memref_slice %arg11[%add3A_497, %dma_start3A_502] : memref<256x64xf32, #tpu.memory_space<vmem>> -> memref<1x64xf32, #tpu.memory_space<vmem>>
      %dma_start3A_504 = arith.constant 0 : i32
      %dma_start3A_505 = tpu.memref_slice %arg5[%squeeze3A_493, %dma_start3A_504] : memref<1000000x64xf32, #tpu.memory_space<hbm>> -> memref<1x64xf32, #tpu.memory_space<hbm>>
      tpu.enqueue_dma source(%dma_start3A_505 : memref<1x64xf32, #tpu.memory_space<hbm>>) target(%dma_start3A_503 : memref<1x64xf32, #tpu.memory_space<vmem>>) target_semaphore(%arg13 : memref<!tpu.dma_semaphore, #tpu.memory_space<semaphore_mem>>)
      %slice3A_506 = vector.extract_strided_slice %get3A_81 {offsets = [15], sizes = [1], strides = [1]} : vector<16xi32> to vector<1xi32>
      %squeeze3A_507 = vector.extract %slice3A_506[0] : i32 from vector<1xi32>
      %mul3A_508 = arith.constant 16 : i32
      %mul3A_509 = arith.muli %scan3A_76, %mul3A_508 : i32
      %add3A_510 = arith.constant 15 : i32
      %add3A_511 = arith.addi %mul3A_509, %add3A_510 : i32
      %dma_start3A_512 = arith.constant 0 : i32
      %dma_start3A_513 = tpu.memref_slice %arg10[%add3A_511, %dma_start3A_512] : memref<256x64xf32, #tpu.memory_space<vmem>> -> memref<1x64xf32, #tpu.memory_space<vmem>>
      %dma_start3A_514 = arith.constant 0 : i32
      %dma_start3A_515 = tpu.memref_slice %arg4[%squeeze3A_507, %dma_start3A_514] : memref<1000000x64xf32, #tpu.memory_space<hbm>> -> memref<1x64xf32, #tpu.memory_space<hbm>>
      %dma_start3A_516 = arith.constant 0 : i32
      %dma_start3A_517 = tpu.memref_slice %arg10[%add3A_511, %dma_start3A_516] : memref<256x64xf32, #tpu.memory_space<vmem>> -> memref<1x64xf32, #tpu.memory_space<vmem>>
      %dma_start3A_518 = arith.constant 0 : i32
      %dma_start3A_519 = tpu.memref_slice %arg4[%squeeze3A_507, %dma_start3A_518] : memref<1000000x64xf32, #tpu.memory_space<hbm>> -> memref<1x64xf32, #tpu.memory_space<hbm>>
      tpu.enqueue_dma source(%dma_start3A_519 : memref<1x64xf32, #tpu.memory_space<hbm>>) target(%dma_start3A_517 : memref<1x64xf32, #tpu.memory_space<vmem>>) target_semaphore(%arg12 : memref<!tpu.dma_semaphore, #tpu.memory_space<semaphore_mem>>)
      %slice3A_520 = vector.extract_strided_slice %get3A_87 {offsets = [15], sizes = [1], strides = [1]} : vector<16xi32> to vector<1xi32>
      %squeeze3A_521 = vector.extract %slice3A_520[0] : i32 from vector<1xi32>
      %mul3A_522 = arith.constant 16 : i32
      %mul3A_523 = arith.muli %scan3A_76, %mul3A_522 : i32
      %add3A_524 = arith.constant 15 : i32
      %add3A_525 = arith.addi %mul3A_523, %add3A_524 : i32
      %dma_start3A_526 = arith.constant 0 : i32
      %dma_start3A_527 = tpu.memref_slice %arg11[%add3A_525, %dma_start3A_526] : memref<256x64xf32, #tpu.memory_space<vmem>> -> memref<1x64xf32, #tpu.memory_space<vmem>>
      %dma_start3A_528 = arith.constant 0 : i32
      %dma_start3A_529 = tpu.memref_slice %arg5[%squeeze3A_521, %dma_start3A_528] : memref<1000000x64xf32, #tpu.memory_space<hbm>> -> memref<1x64xf32, #tpu.memory_space<hbm>>
      %dma_start3A_530 = arith.constant 0 : i32
      %dma_start3A_531 = tpu.memref_slice %arg11[%add3A_525, %dma_start3A_530] : memref<256x64xf32, #tpu.memory_space<vmem>> -> memref<1x64xf32, #tpu.memory_space<vmem>>
      %dma_start3A_532 = arith.constant 0 : i32
      %dma_start3A_533 = tpu.memref_slice %arg5[%squeeze3A_521, %dma_start3A_532] : memref<1000000x64xf32, #tpu.memory_space<hbm>> -> memref<1x64xf32, #tpu.memory_space<hbm>>
      tpu.enqueue_dma source(%dma_start3A_533 : memref<1x64xf32, #tpu.memory_space<hbm>>) target(%dma_start3A_531 : memref<1x64xf32, #tpu.memory_space<vmem>>) target_semaphore(%arg13 : memref<!tpu.dma_semaphore, #tpu.memory_space<semaphore_mem>>)
    }
    %scan3A_43 = arith.constant 16 : i32
    %dma_wait3A_44 = arith.constant 0 : i32
    %dma_wait3A_45 = arith.constant 0 : i32
    %dma_wait3A_46 = tpu.memref_slice %arg4[%dma_wait3A_44, %dma_wait3A_45] : memref<1000000x64xf32, #tpu.memory_space<hbm>> -> memref<256x64xf32, #tpu.memory_space<hbm>>
    %dma_wait3A_47 = arith.constant 0 : i32
    %dma_wait3A_48 = arith.constant 0 : i32
    %dma_wait3A_49 = tpu.memref_slice %arg4[%dma_wait3A_47, %dma_wait3A_48] : memref<1000000x64xf32, #tpu.memory_space<hbm>> -> memref<256x64xf32, #tpu.memory_space<hbm>>
    tpu.wait_dma2 semaphore(%arg12 : memref<!tpu.dma_semaphore, #tpu.memory_space<semaphore_mem>>) src(%dma_wait3A_49 : memref<256x64xf32, #tpu.memory_space<hbm>>) dst(%arg10 : memref<256x64xf32, #tpu.memory_space<vmem>>)
    %add3A_50 = arith.constant 256 : i32
    %add3A_51 = arith.addi %mul3A_2, %add3A_50 : i32
    %dma_start3A_52 = arith.constant 0 : i32
    %dma_start3A_53 = tpu.memref_slice %arg6[%add3A_51, %dma_start3A_52] : memref<16384x64xf32, #tpu.memory_space<hbm>> -> memref<256x64xf32, #tpu.memory_space<hbm>>
    %dma_start3A_54 = arith.constant 0 : i32
    %dma_start3A_55 = tpu.memref_slice %arg6[%add3A_51, %dma_start3A_54] : memref<16384x64xf32, #tpu.memory_space<hbm>> -> memref<256x64xf32, #tpu.memory_space<hbm>>
    tpu.enqueue_dma source(%arg10 : memref<256x64xf32, #tpu.memory_space<vmem>>) target(%dma_start3A_55 : memref<256x64xf32, #tpu.memory_space<hbm>>) target_semaphore(%arg14 : memref<!tpu.dma_semaphore, #tpu.memory_space<semaphore_mem>>)
    %dma_wait3A_56 = arith.constant 0 : i32
    %dma_wait3A_57 = arith.constant 0 : i32
    %dma_wait3A_58 = tpu.memref_slice %arg5[%dma_wait3A_56, %dma_wait3A_57] : memref<1000000x64xf32, #tpu.memory_space<hbm>> -> memref<256x64xf32, #tpu.memory_space<hbm>>
    %dma_wait3A_59 = arith.constant 0 : i32
    %dma_wait3A_60 = arith.constant 0 : i32
    %dma_wait3A_61 = tpu.memref_slice %arg5[%dma_wait3A_59, %dma_wait3A_60] : memref<1000000x64xf32, #tpu.memory_space<hbm>> -> memref<256x64xf32, #tpu.memory_space<hbm>>
    tpu.wait_dma2 semaphore(%arg13 : memref<!tpu.dma_semaphore, #tpu.memory_space<semaphore_mem>>) src(%dma_wait3A_61 : memref<256x64xf32, #tpu.memory_space<hbm>>) dst(%arg11 : memref<256x64xf32, #tpu.memory_space<vmem>>)
    %add3A_62 = arith.constant 256 : i32
    %add3A_63 = arith.addi %mul3A_2, %add3A_62 : i32
    %dma_start3A_64 = arith.constant 0 : i32
    %dma_start3A_65 = tpu.memref_slice %arg7[%add3A_63, %dma_start3A_64] : memref<16384x64xf32, #tpu.memory_space<hbm>> -> memref<256x64xf32, #tpu.memory_space<hbm>>
    %dma_start3A_66 = arith.constant 0 : i32
    %dma_start3A_67 = tpu.memref_slice %arg7[%add3A_63, %dma_start3A_66] : memref<16384x64xf32, #tpu.memory_space<hbm>> -> memref<256x64xf32, #tpu.memory_space<hbm>>
    tpu.enqueue_dma source(%arg11 : memref<256x64xf32, #tpu.memory_space<vmem>>) target(%dma_start3A_67 : memref<256x64xf32, #tpu.memory_space<hbm>>) target_semaphore(%arg14 : memref<!tpu.dma_semaphore, #tpu.memory_space<semaphore_mem>>)
    %dma_wait3A_68 = arith.constant 0 : i32
    %dma_wait3A_69 = tpu.memref_slice %arg6[%add3A_51, %dma_wait3A_68] : memref<16384x64xf32, #tpu.memory_space<hbm>> -> memref<256x64xf32, #tpu.memory_space<hbm>>
    %dma_wait3A_70 = arith.constant 0 : i32
    %dma_wait3A_71 = tpu.memref_slice %arg6[%add3A_51, %dma_wait3A_70] : memref<16384x64xf32, #tpu.memory_space<hbm>> -> memref<256x64xf32, #tpu.memory_space<hbm>>
    tpu.wait_dma2 semaphore(%arg14 : memref<!tpu.dma_semaphore, #tpu.memory_space<semaphore_mem>>) src(%arg10 : memref<256x64xf32, #tpu.memory_space<vmem>>) dst(%dma_wait3A_71 : memref<256x64xf32, #tpu.memory_space<hbm>>)
    %dma_wait3A_72 = arith.constant 0 : i32
    %dma_wait3A_73 = tpu.memref_slice %arg7[%add3A_63, %dma_wait3A_72] : memref<16384x64xf32, #tpu.memory_space<hbm>> -> memref<256x64xf32, #tpu.memory_space<hbm>>
    %dma_wait3A_74 = arith.constant 0 : i32
    %dma_wait3A_75 = tpu.memref_slice %arg7[%add3A_63, %dma_wait3A_74] : memref<16384x64xf32, #tpu.memory_space<hbm>> -> memref<256x64xf32, #tpu.memory_space<hbm>>
    tpu.wait_dma2 semaphore(%arg14 : memref<!tpu.dma_semaphore, #tpu.memory_space<semaphore_mem>>) src(%arg11 : memref<256x64xf32, #tpu.memory_space<vmem>>) dst(%dma_wait3A_75 : memref<256x64xf32, #tpu.memory_space<hbm>>)
    return
  }
}

</mosaic_0001>

<sc_bundles>
// kernel: kernel.3.cloned.1.call-start
scs
__scs_entry_jumppad:
0x0: {  	(pc) =	sbr.rel $0x88, $3  }
0x1: {  	(tag) =	ssettag $0x0;
	lr =	simm.s32 $0x1  }
0x2: {  	[smem:$0x3F9E] =	sst lr;
	_ =	strace $0xD0000000  }
0x3: {  	_ = 	snop  }
0x4: {  	_ = 	snop  }
0x5: {  	_ = 	snop  }
0x6: {  	_ = 	snop  }
0x7: {  	_ = 	snop  }
__scs_overlays_trampoline_lowered:
0x8: {  	[smem:$0x3FAD] =	sst s0  }
0x9: {  	[smem:$0x3FAE] =	sst s1  }
0xa: {  	[smem:$0x3FAF] =	sst s2  }
0xb: {  	[smem:$0x3FB0] =	sst s3  }
0xc: {  	[smem:$0x3FB1] =	sst s4  }
0xd: {  	[smem:$0x3FB2] =	sst s5  }
0xe: {  	[smem:$0x3FB3] =	sst s6  }
0xf: {  	[smem:$0x3FB4] =	sst s7  }
0x10: {  	[smem:$0x3FB5] =	sst s8  }
0x11: {  	[smem:$0x3FB6] =	sst s9;
	s0 =	simm.s32 @!p0 $0x0  }
0x12: {  	s1 =	sld [smem:$0x3F9C];
	s0 =	simm.s32 @p0 $0x1  }
0x13: {  	[smem:$0x3FB7] =	sst s0;
	s0 =	simm.s32 @!p1 $0x0  }
0x14: {  	s2 =	sld [smem:$0x3F9B];
	s0 =	simm.s32 @p1 $0x1  }
0x15: {  	[smem:$0x3FB8] =	sst s0;
	s0 =	simm.s32 @!p2 $0x0  }
0x16: {  	s3 =	sld [smem:$0x3FDB];
	s0 =	simm.s32 @p2 $0x1  }
0x17: {  	s4 =	simm.s32 $0x1BF5;
	[smem:$0x3FBA] =	sst s0  }
0x18: {  	s0 =	sld [smem:$0x3F9D];
	_ =	swait.ge [sflag:s4], $0x0  }
0x19: {  	s7 =	sld [smem:$0x3F9E]  }
0x1a: {  	s8 =	sadd.s32 $0xFFFFE003, lr  }
0x1b: {  	s9 =	sadd.s32 $0xFFFFFEF7, lr;
	s5 =	simm.s32 $0xFFFFFFFF;
	p2 =	slt.u32 s8, $0xFFFFF086  }
0x1c: {  	p1 =	slt.u32 s9, $0xF7A;
	s5 =	simm.s32 @!p2 $0x0  }
0x1d: {  	s5 =	simm.s32 @p1 $0x1;
	p0 =	seq.s32 s7, s2  }
0x1e: {  	s7 =	smul.u32 @!p0 $0xF7A, s2;
	p2 =	seq.s32 @!p0 s5, $0x0  }
0x1f: {  	s9 =	smul.u32 $0xF7A, s1;
	s8 =	simm.s32 @!p0 $0x1BF5;
	p2 =	por !p2, p0  }
0x20: {  	[sflag:s8] =	ssyncset.s32 @!p0 $0xFFFFF086;
	s6 =	sadd.s32 @!p0 s3, s7;
	s7 =	simm.s32 @!p0 $0x108  }
0x21: {  	s3 =	sadd.s32 s3, s9;
	s6 =	sadd.s32 @!p0 $0x88, s6;
	s7 =	simm.s32 @p2 $0x1082  }
0x22: {  	[simem:s7], [sflag:s8] =	dma.local @!p0 [hbm:s6], $0xF7A  }
0x23: {  	s9 =	sor.u32 $0xD0000000, s2;
	s6 =	simm.s32 $0x108;
	_ =	swait.ge @!p0 [sflag:s8], $0x0  }
0x24: {  	s3 =	sadd.s32 $0x88, s3;
	s6 =	simm.s32 @!p1 $0x1082;
	[sflag:s4] =	ssyncset.s32 $0xFFFFF086  }
0x25: {  	[simem:s6], [sflag:s4] =	dma.local [hbm:s3], $0xF7A  }
0x26: {  	[smem:$0x3F9E] =	sst s1;
	(tag) =	ssettag s2;
	_ =	strace s9  }
0x27: {  	s1 =	sld [smem:$0x3FAE]  }
0x28: {  	s2 =	sld [smem:$0x3FAF]  }
0x29: {  	s4 =	sld [smem:$0x3FB1]  }
0x2a: {  	p0 =	seq.s32 s5, $0x0;
	s5 =	sld [smem:$0x3FB2]  }
0x2b: {  	s6 =	sld [smem:$0x3FB3]  }
0x2c: {  	s7 =	sld [smem:$0x3FB4]  }
0x2d: {  	s3 =	simm.s32 $0x108;
	s8 =	sld [smem:$0x3FB5]  }
0x2e: {  	s3 =	simm.s32 @!p0 $0x1082;
	s9 =	sld [smem:$0x3FB6]  }
0x2f: {  	lr =	sadd.s32 s0, s3;
	s0 =	sld [smem:$0x3FAD]  }
0x30: {  	s3 =	sld [smem:$0x3FB0]  }
0x31: {  	[smem:$0x3FB9] =	sst s10  }
0x32: {  	s10 =	sld [smem:$0x3FB7];
	_ =	sdelay $0x3  }
0x33: {  	p0 =	seq.s32 s10, $0x1;
	s10 =	sld [smem:$0x3FB9];
	_ =	sdelay $0x3  }
0x34: {  	[smem:$0x3FB9] =	sst s10  }
0x35: {  	s10 =	sld [smem:$0x3FB8];
	_ =	sdelay $0x3  }
0x36: {  	p1 =	seq.s32 s10, $0x1;
	s10 =	sld [smem:$0x3FB9];
	_ =	sdelay $0x3  }
0x37: {  	[smem:$0x3FB9] =	sst s10  }
0x38: {  	s10 =	sld [smem:$0x3FBA]  }
0x39: {  	_ = 	snop;
	(pc) =	sbr.ind lr, $3  }
0x3a: {  	_ = 	snop  }
0x3b: {  	_ = 	snop  }
0x3c: {  	p2 =	seq.s32 s10, $0x1;
	s10 =	sld [smem:$0x3FB9]  }
0x3d: {  	_ =	shalt  }
0x3e: {  	_ =	shalt  }
0x3f: {  	_ =	shalt  }
0x40: {  	_ =	shalt  }
0x41: {  	_ =	shalt  }
0x42: {  	_ =	shalt  }
0x43: {  	_ =	shalt  }
0x44: {  	_ =	shalt  }
0x45: {  	_ =	shalt  }
0x46: {  	_ =	shalt  }
0x47: {  	_ =	shalt  }
0x48: {  	_ =	shalt  }
0x49: {  	_ =	shalt  }
0x4a: {  	_ =	shalt  }
0x4b: {  	_ =	shalt  }
0x4c: {  	_ =	shalt  }
0x4d: {  	_ =	shalt  }
0x4e: {  	_ =	shalt  }
0x4f: {  	_ =	shalt  }
0x50: {  	_ =	shalt  }
0x51: {  	_ =	shalt  }
0x52: {  	_ =	shalt  }
0x53: {  	_ =	shalt  }
0x54: {  	_ =	shalt  }
0x55: {  	_ =	shalt  }
0x56: {  	_ =	shalt  }
0x57: {  	_ =	shalt  }
0x58: {  	_ =	shalt  }
0x59: {  	_ =	shalt  }
0x5a: {  	_ =	shalt  }
0x5b: {  	_ =	shalt  }
0x5c: {  	_ =	shalt  }
0x5d: {  	_ =	shalt  }
0x5e: {  	_ =	shalt  }
0x5f: {  	_ =	shalt  }
0x60: {  	_ =	shalt  }
0x61: {  	_ =	shalt  }
0x62: {  	_ =	shalt  }
0x63: {  	_ =	shalt  }
0x64: {  	_ =	shalt  }
0x65: {  	_ =	shalt  }
0x66: {  	_ =	shalt  }
0x67: {  	_ =	shalt  }
0x68: {  	_ =	shalt  }
0x69: {  	_ =	shalt  }
0x6a: {  	_ =	shalt  }
0x6b: {  	_ =	shalt  }
0x6c: {  	_ =	shalt  }
0x6d: {  	_ =	shalt  }
0x6e: {  	_ =	shalt  }
0x6f: {  	_ =	shalt  }
0x70: {  	_ =	shalt  }
0x71: {  	_ =	shalt  }
0x72: {  	_ =	shalt  }
0x73: {  	_ =	shalt  }
0x74: {  	_ =	shalt  }
0x75: {  	_ =	shalt  }
0x76: {  	_ =	shalt  }
0x77: {  	_ =	shalt  }
0x78: {  	_ =	shalt  }
0x79: {  	_ =	shalt  }
0x7a: {  	_ =	shalt  }
0x7b: {  	_ =	shalt  }
0x7c: {  	_ =	shalt  }
0x7d: {  	_ =	shalt  }
0x7e: {  	_ =	shalt  }
0x7f: {  	_ =	shalt  }
0x80: {  	_ =	shalt  }
0x81: {  	_ =	shalt  }
0x82: {  	_ =	shalt  }
0x83: {  	_ =	shalt  }
0x84: {  	_ =	shalt  }
0x85: {  	_ =	shalt  }
0x86: {  	_ =	shalt  }
0x87: {  	_ =	shalt  }
.Lfunc_end0:
.L_simem_size_0:
called_computation_lowered:
.L_overlay_start_0:
0x88: {  	s2 =	sld [smem:$0x3FD9]  }
0x89: {  	s3 =	sld [smem:$0x3FFE];
	_ =	sdelay $0x1  }
0x8a: {  	s1 =	srdreg.scid  }
0x8b: {  	s0 =	sand.u32 $0x1, s1  }
0x8c: {  	s14 =	sshll.u32 s0, $0xA;
	s2 =	sadd.s32 s3, s2  }
0x8d: {  	s2 =	sadd.s32 s2, s14  }
0x8e: {  	[smem:$0x3FC5] =	sst s2  }
0x8f: {  	_ = 	snop  }
0x90: {  	s2 =	sld [smem:$0x3FD0];
	_ =	sdelay $0x2  }
0x91: {  	s15 =	simm.s32 $0xA;
	s4 =	simm.s32 $0x10  }
0x92: {  	[smem:s4], [sflag:s15] =	dma.local [hbm:s2], $0x1  }
0x93: {  	_ =	swait.eq [sflag:s15], $0x1  }
0x94: {  	[sflag:s15] =	ssyncset.done $0x0  }
0x95: {  	s16 =	sld [smem:$0x10];
	[sflag:s15] =	ssyncadd.s32 $0xFFFFFFFF  }
0x96: {  	s17 =	sld [smem:$0x11];
	(tm) =	ssettm $0x1  }
0x97: {  	s18 =	sld [smem:$0x3FFB];
	_ =	sdelay $0x3  }
0x98: {  	_ =	strace s18  }
0x99: {  	s4 =	sld [smem:$0x3FFC];
	_ =	sdelay $0x3  }
0x9a: {  	_ =	strace s4  }
0x9b: {  	s4 =	sld [smem:$0x3FFD];
	_ =	sdelay $0x3  }
0x9c: {  	_ =	strace s4  }
0x9d: {  	_ =	strace $0x8FFFFFFF  }
0x9e: {  	s19 =	sld [smem:$0x3FDB];
	_ =	sdelay $0x1  }
0x9f: {  	s5 =	simm.s32 $_scs_section_size  }
0xa0: {  	s6 =	simm.s32 $_size__tile_overlayer_lowered;
	s7 =	simm.s32 $_tile_overlayer_lowered  }
0xa1: {  	s22 =	simm.s32 $0x1BFF;
	s21 =	sshll.u32 s7, $0x1;
	s4 =	sadd.s32 s5, s19  }
0xa2: {  	s8 =	simm.s32 $0x0;
	s20 =	sshll.u32 s6, $0x1;
	s6 =	sadd.s32 s21, s4  }
0xa3: {  	[timem:s8], [sflag:s22] =	dma.local [hbm:s6], s20  }
0xa4: {  	_ =	swait.ge [sflag:s22], s20  }
0xa5: {  	s5 =	ssub.s32 $0x0, s20;
	[sflag:s22] =	ssyncset.done $0x0  }
0xa6: {  	[sflag:s22] =	ssyncadd.s32 s5;
	_ =	sdelay $0x1  }
0xa7: {  	s23 =	simm.s32 $0x1B8B  }
0xa8: {  	_ =	swait.ge [sflag:s23], $0x1  }
0xa9: {  	[sflag:s23] =	ssyncset.done $0x0  }
0xaa: {  	s25 =	simm.s32 $0x1B8E;
	s24 =	sld [smem:$0x3FFE];
	[sflag:s23] =	ssyncadd.s32 $0xFFFFFFFF  }
0xab: {  	s26 =	simm.s32 $execute0_lowered;
	[smem:$0x3FD2] =	sst s25  }
0xac: {  	s6 =	sshll.u32 s26, $0x1;
	_ =	strace $0x80000046;
	[dreg:$0x1] =	wrdreg $0xFFFFFFFF  }
0xad: {  	s28 =	simm.s32 $_size_execute0_lowered;
	s4 =	sadd.s32 s4, s6;
	[dreg:$0x0] =	wrdreg $0x0  }
0xae: {  	s6 =	sshll.u32 s28, $0x1;
	[dreg:$0x2] =	wrdreg s4  }
0xaf: {  	[dreg:$0x3] =	wrdreg s6  }
0xb0: {  	[dreg:$0x4] =	wrdreg $0xC0  }
0xb1: {  	_ =	task [dreg:s8], $0x5FFFF  }
0xb2: {  	[dreg:$0x1] =	wrdreg $0xFFFFFFFF  }
0xb3: {  	[dreg:$0x0] =	wrdreg $0x60  }
0xb4: {  	[dreg:$0x2] =	wrdreg s16  }
0xb5: {  	[dreg:$0x3] =	wrdreg s17  }
0xb6: {  	[dreg:$0x4] =	wrdreg s24  }
0xb7: {  	[dreg:$0x5] =	wrdreg $0x9  }
0xb8: {  	_ =	task.clear_ibuf [dreg:s8], $0x6FFFF;
	_ =	strace $0x90000046  }
0xb9: {  	s29 =	simm.s32 $0x9;
	_ =	strace $0x80000048  }
0xba: {  	_ =	swait.ge [sflag:s29], $0x1  }
0xbb: {  	[sflag:s29] =	ssyncadd.s32 $0xFFFFFFFF  }
0xbc: {  	_ =	strace $0x90000048  }
0xbd: {  	_ =	sfence  }
0xbe: {  	s30 =	sld [smem:$0x0];
	_ =	sdelay $0x2  }
0xbf: {  	s31 =	sshll.u32 s1, $0xD;
	s1 =	sshrl.u32 s1, $0x2  }
0xc0: {  	s3 =	sand.u32 $0x4000, s31;
	s1 =	sadd.s32 s1, s30  }
0xc1: {  	s0 =	sor.u32 s3, s0;
	s1 =	sshll.u32 s1, $0x11  }
0xc2: {  	s0 =	sor.u32 s1, s0  }
0xc3: {  	s0 =	sadd.s32 $0x8F2B, s0  }
0xc4: {  	[sflag:s0] =	ssyncadd.remote.s32 $0x1  }
0xc5: {  	_ =	sfence.sel $0xFFFF  }
0xc6: {  	[dreg:$0x0] =	wrdreg $0xFFFFFFFF;
	(pc) =	sbr.abs _section_cstart, $3  }
0xc7: {  	[dreg:$0x1] =	wrdreg $0xFFFFFFFF  }
0xc8: {  	_ =	task.clear_ibuf [dreg:s8], $0x2FFFF;
	_ =	strace $0x9FFFFFFF  }
0xc9: {  	(tm) =	ssettm $0x7FFFFFFF  }
tec
execute0_lowered:
.L_overlay_start_1:
0x0: {  	(tag) =	ssettag $0x1  }
0x1: {  	s0 =	rddreg [dreg:$0x0]  }
0x2: {  	s2 =	rddreg [dreg:$0x1]  }
0x3: {  	s5 =	rddreg [dreg:$0x2];
	s6 =	srdreg.scid  }
0x4: {  	s1 =	simm.s32 $0x0;
	s9 =	stileid.u32;
	s6 =	sand.u32 $0x1, s6  }
0x5: {  	s9 =	sshll.u32 s9, $0xA;
	s8 =	ssub.s32 $0x2, s6;
	s6 =	sshll.u32 s6, $0x9  }
0x6: {  	[smem:$0x7FF] =	sst s1;
	s3 =	sadd.s32 $0xA00, s5;
	s6 =	sor.u32 s6, s9  }
0x7: {  	s4 =	sadd.s32 $0xF42E00, s5;
	s7 =	sadd.s32 $0x1E85200, s5;
	s9 =	sshrl.u32 s6, $0x3  }
0x8: {  	s5 =	sadd.s32 $0x1EC5200, s5;
	_ =	strace $0x80000047;
	s0 =	sadd.s32 s0, s9  }
0x9: {  	s6 =	sshll.u32 s6, $0x4;
	s25 =	sadd.s32 s2, s9;
	[dreg:$0x16] =	wrdreg s0  }
0xa: {  	s10 =	sshrl.u32 s8, $0x1;
	s28 =	sadd.s32 s7, s6;
	[dreg:$0x17] =	wrdreg s25  }
0xb: {  	s8 =	ssub.s32 s8, s10;
	s29 =	sadd.s32 s5, s6;
	[dreg:$0x18] =	wrdreg s28  }
0xc: {  	s26 =	sor.u32 $0x1000, s6;
	s31 =	smax.u32 s8, $0x1;
	[dreg:$0x19] =	wrdreg s29  }
0xd: {  	s30 =	sadd.s32 s7, s26;
	[dreg:$0x1c] =	wrdreg s31  }
0xe: {  	s0 =	sadd.s32 s5, s26;
	[dreg:$0x1a] =	wrdreg s30  }
0xf: {  	s5 =	simm.s32 $0x0;
	[dreg:$0x1b] =	wrdreg s0  }
.LBB2_1:
0x10: {  	[dreg:$0x1d] =	wrdreg s5  }
0x11: {  	s0 =	rddreg [dreg:$0x16];
	s26 =	simm.s32 $0x4  }
0x12: {  	[tilespmem:s1], [sflag:$0x4] =	stream.linear.gather [hbm4b:s0+s1], $0x200, $0x38;
	[tilespmem:$0x10400] =	vst v63  }
0x13: {  	_ =	swait.ge [sflag:s26], $0x200  }
0x14: {  	[sflag:s26] =	ssyncset.done $0x0  }
0x15: {  	s30 =	simm.s32 $0x200;
	s2 =	rddreg [dreg:$0x17];
	[sflag:s26] =	ssyncadd.s32 $0xFFFFFE00  }
0x16: {  	[tilespmem:s30], [sflag:$0x4] =	stream.linear.gather [hbm4b:s2+s1], $0x200, $0x38;
	[tilespmem:$0x10400] =	vst v63  }
0x17: {  	_ =	swait.ge [sflag:s26], $0x200  }
0x18: {  	[sflag:s26] =	ssyncset.done $0x0  }
0x19: {  	[sflag:s26] =	ssyncadd.s32 $0xFFFFFE00  }
0x1a: {  	v0 =	vld [tilespmem:s1+$0x0]  }
0x1b: {  	v2 =	vld [tilespmem:s30+$0x0];
	_ =	sdelay $0x3  }
0x1c: {  	v1 =	vshll.u32 v0, $0x4  }
0x1d: {  	v63 =	vshll.u32 v2, $0x4;
	(v2sf) =	vpush v1, $0x0  }
0x1e: {  	(v2sf) =	vpush v63, $0x0  }
0x1f: {  	(v2sf) =	vpush v1, $0x1;
	_ =	sdelay $0x1  }
0x20: {  	(v2sf) =	vpush v63, $0x1  }
0x21: {  	(v2sf) =	vpush v1, $0x2;
	_ =	sdelay $0x1  }
0x22: {  	(v2sf) =	vpush v63, $0x2;
	_ =	sdelay $0x1  }
0x23: {  	(v2sf) =	vpush v1, $0x3  }
0x24: {  	s20 =	simm.s32 $0x2000  }
0x25: {  	s19 =	simm.s32 $0x0;
	s31 =	simm.s32 $0x8400;
	s5 =	simm.s32 $0x680  }
0x26: {  	s6 =	simm.s32 $0x880;
	s7 =	simm.s32 $0x400;
	s9 =	simm.s32 $0x600  }
0x27: {  	s10 =	simm.s32 $0x580;
	s13 =	simm.s32 $0x480;
	s16 =	simm.s32 $0x8480  }
0x28: {  	s18 =	simm.s32 $0x500;
	s23 =	simm.s32 $0x8500;
	s29 =	simm.s32 $0xA00  }
0x29: {  	s28 =	simm.s32 $0xB00;
	s0 =	simm.s32 $0x8900;
	s8 =	spop (v2sf);
	(v2sf) =	vpush v63, $0x3  }
0x2a: {  	s30 =	simm.s32 $0x8600;
	s8 =	sand.u32 $0x1FFFFFF0, s8;
	s11 =	spop (v2sf)  }
0x2b: {  	(v2sf) =	vpush v1, $0x4;
	s8 =	sadd.s32 s3, s8;
	s11 =	sand.u32 $0x1FFFFFF0, s11;
	s12 =	spop (v2sf)  }
0x2c: {  	(v2sf) =	vpush v63, $0x4;
	[tilespmem:s7], [sflag:$0x1] =	stream.linear.gather [hbm4b:s8+s1], $0x80, $0x38;
	[tilespmem:$0x10400] =	vst v63  }
0x2d: {  	s8 =	sadd.s32 s4, s11;
	s11 =	sand.u32 $0x1FFFFFF0, s12;
	s12 =	spop (v2sf)  }
0x2e: {  	s7 =	simm.s32 $0x8580;
	(v2sf) =	vpush v1, $0x5;
	s14 =	sadd.s32 s3, s11;
	s17 =	spop (v2sf)  }
0x2f: {  	[tilespmem:s31], [sflag:$0x2] =	stream.linear.gather [hbm4b:s8+s1], $0x80, $0x38;
	[tilespmem:$0x10400] =	vst v63  }
0x30: {  	s15 =	sand.u32 $0x1FFFFFF0, s12;
	(v2sf) =	vpush v63, $0x5;
	s12 =	simm.s32 $0x780;
	s21 =	spop (v2sf)  }
0x31: {  	[tilespmem:s13], [sflag:$0x1] =	stream.linear.gather [hbm4b:s14+s1], $0x80, $0x38;
	[tilespmem:$0x10400] =	vst v63  }
0x32: {  	s11 =	sadd.s32 s4, s15;
	(v2sf) =	vpush v1, $0x6;
	s8 =	sand.u32 $0x1FFFFFF0, s17;
	s22 =	spop (v2sf)  }
0x33: {  	[tilespmem:s16], [sflag:$0x2] =	stream.linear.gather [hbm4b:s11+s1], $0x80, $0x38;
	[tilespmem:$0x10400] =	vst v63  }
0x34: {  	s8 =	sadd.s32 s3, s8;
	(v2sf) =	vpush v63, $0x6;
	s25 =	sand.u32 $0x1FFFFFF0, s22;
	s11 =	sand.u32 $0x1FFFFFF0, s21  }
0x35: {  	[tilespmem:s18], [sflag:$0x1] =	stream.linear.gather [hbm4b:s8+s1], $0x80, $0x38;
	[tilespmem:$0x10400] =	vst v63  }
0x36: {  	s13 =	simm.s32 $0x8A00;
	s14 =	simm.s32 $0xA80;
	s24 =	sadd.s32 s4, s11  }
0x37: {  	[tilespmem:s23], [sflag:$0x2] =	stream.linear.gather [hbm4b:s24+s1], $0x80, $0x38;
	[tilespmem:$0x10400] =	vst v63  }
0x38: {  	s16 =	simm.s32 $0x8680;
	s11 =	sadd.s32 s3, s25;
	s26 =	spop (v2sf);
	(v2sf) =	vpush v1, $0x7  }
0x39: {  	[tilespmem:s10], [sflag:$0x1] =	stream.linear.gather [hbm4b:s11+s1], $0x80, $0x38;
	[tilespmem:$0x10400] =	vst v63  }
0x3a: {  	s18 =	simm.s32 $0x700;
	s8 =	sand.u32 $0x1FFFFFF0, s26;
	s31 =	spop (v2sf)  }
0x3b: {  	(v2sf) =	vpush v63, $0x7;
	s8 =	sadd.s32 s4, s8;
	s11 =	sand.u32 $0x1FFFFFF0, s31;
	s2 =	spop (v2sf)  }
0x3c: {  	(v2sf) =	vpush v1, $0x8;
	[tilespmem:s7], [sflag:$0x2] =	stream.linear.gather [hbm4b:s8+s1], $0x80, $0x38;
	[tilespmem:$0x10400] =	vst v63  }
0x3d: {  	s11 =	sadd.s32 s3, s11;
	s15 =	sand.u32 $0x1FFFFFF0, s2;
	s17 =	spop (v2sf)  }
0x3e: {  	(v2sf) =	vpush v63, $0x8;
	[tilespmem:s9], [sflag:$0x1] =	stream.linear.gather [hbm4b:s11+s1], $0x80, $0x38;
	[tilespmem:$0x10400] =	vst v63  }
0x3f: {  	s8 =	sadd.s32 s4, s15;
	s21 =	spop (v2sf);
	s9 =	sand.u32 $0x1FFFFFF0, s17  }
0x40: {  	(v2sf) =	vpush v1, $0x9;
	[tilespmem:s30], [sflag:$0x2] =	stream.linear.gather [hbm4b:s8+s1], $0x80, $0x38;
	[tilespmem:$0x10400] =	vst v63  }
0x41: {  	s10 =	sand.u32 $0x1FFFFFF0, s21;
	s22 =	spop (v2sf);
	s9 =	sadd.s32 s3, s9  }
0x42: {  	(v2sf) =	vpush v63, $0x9;
	[tilespmem:s5], [sflag:$0x1] =	stream.linear.gather [hbm4b:s9+s1], $0x80, $0x38;
	[tilespmem:$0x10400] =	vst v63  }
0x43: {  	s23 =	sadd.s32 s4, s10;
	s24 =	sand.u32 $0x1FFFFFF0, s22;
	s25 =	spop (v2sf)  }
0x44: {  	(v2sf) =	vpush v1, $0xA;
	[tilespmem:s16], [sflag:$0x2] =	stream.linear.gather [hbm4b:s23+s1], $0x80, $0x38;
	[tilespmem:$0x10400] =	vst v63  }
0x45: {  	s17 =	simm.s32 $0x8780;
	s26 =	sadd.s32 s3, s24;
	s7 =	sand.u32 $0x1FFFFFF0, s25  }
0x46: {  	(v2sf) =	vpush v63, $0xA;
	[tilespmem:s18], [sflag:$0x1] =	stream.linear.gather [hbm4b:s26+s1], $0x80, $0x38;
	[tilespmem:$0x10400] =	vst v63  }
0x47: {  	s30 =	simm.s32 $0x8700;
	s7 =	sadd.s32 s4, s7;
	s31 =	spop (v2sf)  }
0x48: {  	(v2sf) =	vpush v1, $0xB;
	[tilespmem:s30], [sflag:$0x2] =	stream.linear.gather [hbm4b:s7+s1], $0x80, $0x38;
	[tilespmem:$0x10400] =	vst v63  }
0x49: {  	s21 =	simm.s32 $0x800;
	s24 =	simm.s32 $0x8800;
	s9 =	sand.u32 $0x1FFFFFF0, s31  }
0x4a: {  	s30 =	simm.s32 $0x8880;
	s2 =	spop (v2sf);
	(v2sf) =	vpush v63, $0xB;
	s15 =	sadd.s32 s3, s9  }
0x4b: {  	s16 =	sand.u32 $0x1FFFFFF0, s2;
	s18 =	spop (v2sf);
	s2 =	simm.s32 $0x900  }
0x4c: {  	[tilespmem:s12], [sflag:$0x1] =	stream.linear.gather [hbm4b:s15+s1], $0x80, $0x38;
	[tilespmem:$0x10400] =	vst v63  }
0x4d: {  	s9 =	sadd.s32 s4, s16;
	s8 =	sand.u32 $0x1FFFFFF0, s18;
	s22 =	spop (v2sf)  }
0x4e: {  	[tilespmem:s17], [sflag:$0x2] =	stream.linear.gather [hbm4b:s9+s1], $0x80, $0x38;
	[tilespmem:$0x10400] =	vst v63  }
0x4f: {  	(v2sf) =	vpush v1, $0xC;
	s8 =	sadd.s32 s3, s8;
	s23 =	spop (v2sf);
	s9 =	sand.u32 $0x1FFFFFF0, s22  }
0x50: {  	[tilespmem:s21], [sflag:$0x1] =	stream.linear.gather [hbm4b:s8+s1], $0x80, $0x38;
	[tilespmem:$0x10400] =	vst v63  }
0x51: {  	(v2sf) =	vpush v63, $0xC;
	s26 =	sand.u32 $0x1FFFFFF0, s23;
	s31 =	spop (v2sf);
	s25 =	sadd.s32 s4, s9  }
0x52: {  	[tilespmem:s24], [sflag:$0x2] =	stream.linear.gather [hbm4b:s25+s1], $0x80, $0x38;
	[tilespmem:$0x10400] =	vst v63  }
0x53: {  	s9 =	sadd.s32 s3, s26;
	s12 =	spop (v2sf);
	s8 =	sand.u32 $0x1FFFFFF0, s31  }
0x54: {  	[tilespmem:s6], [sflag:$0x1] =	stream.linear.gather [hbm4b:s9+s1], $0x80, $0x38;
	[tilespmem:$0x10400] =	vst v63  }
0x55: {  	s15 =	spop (v2sf);
	s8 =	sadd.s32 s4, s8;
	s9 =	sand.u32 $0x1FFFFFF0, s12  }
0x56: {  	[tilespmem:s30], [sflag:$0x2] =	stream.linear.gather [hbm4b:s8+s1], $0x80, $0x38;
	[tilespmem:$0x10400] =	vst v63  }
0x57: {  	s17 =	sand.u32 $0x1FFFFFF0, s15;
	s16 =	sadd.s32 s3, s9;
	s18 =	spop (v2sf)  }
0x58: {  	[tilespmem:s2], [sflag:$0x1] =	stream.linear.gather [hbm4b:s16+s1], $0x80, $0x38;
	[tilespmem:$0x10400] =	vst v63  }
0x59: {  	s11 =	simm.s32 $0x8A80;
	s21 =	sadd.s32 s4, s17;
	s23 =	spop (v2sf)  }
0x5a: {  	[tilespmem:s0], [sflag:$0x2] =	stream.linear.gather [hbm4b:s21+s1], $0x80, $0x38;
	[tilespmem:$0x10400] =	vst v63  }
0x5b: {  	s5 =	simm.s32 $0x8980;
	(v2sf) =	vpush v1, $0xD;
	s22 =	sand.u32 $0x1FFFFFF0, s18;
	s26 =	sand.u32 $0x1FFFFFF0, s23  }
0x5c: {  	s24 =	simm.s32 $0x980;
	(v2sf) =	vpush v63, $0xD;
	s25 =	sadd.s32 s3, s22;
	s30 =	sadd.s32 s4, s26  }
0x5d: {  	(v2sf) =	vpush v1, $0xE;
	[tilespmem:s24], [sflag:$0x1] =	stream.linear.gather [hbm4b:s25+s1], $0x80, $0x38;
	[tilespmem:$0x10400] =	vst v63  }
0x5e: {  	(v2sf) =	vpush v63, $0xE;
	s31 =	spop (v2sf);
	s26 =	simm.s32 $0x8B00;
	s24 =	simm.s32 $0x10  }
0x5f: {  	(v2sf) =	vpush v1, $0xF;
	[tilespmem:s5], [sflag:$0x2] =	stream.linear.gather [hbm4b:s30+s1], $0x80, $0x38;
	[tilespmem:$0x10400] =	vst v63  }
0x60: {  	s25 =	simm.s32 $0x210;
	s0 =	sand.u32 $0x1FFFFFF0, s31;
	(v2sf) =	vpush v63, $0xF;
	s5 =	spop (v2sf)  }
.LBB2_2:
0x61: {  	_ =	sdelay $0x4  }
0x62: {  	s0 =	sadd.s32 s3, s0;
	s5 =	sand.u32 $0x1FFFFFF0, s5  }
0x63: {  	[tilespmem:s29], [sflag:$0x1] =	stream.linear.gather [hbm4b:s0+s1], $0x80, $0x38;
	[tilespmem:$0x10400] =	vst v63  }
0x64: {  	s8 =	sadd.s32 s4, s5  }
0x65: {  	[tilespmem:s13], [sflag:$0x2] =	stream.linear.gather [hbm4b:s8+s1], $0x80, $0x38;
	[tilespmem:$0x10400] =	vst v63  }
0x66: {  	s6 =	spop (v2sf)  }
0x67: {  	s9 =	sand.u32 $0x1FFFFFF0, s6;
	s10 =	spop (v2sf)  }
0x68: {  	s12 =	sadd.s32 s3, s9;
	s2 =	sand.u32 $0x1FFFFFF0, s10;
	s13 =	spop (v2sf)  }
0x69: {  	[tilespmem:s14], [sflag:$0x1] =	stream.linear.gather [hbm4b:s12+s1], $0x80, $0x38;
	[tilespmem:$0x10400] =	vst v63  }
0x6a: {  	s14 =	sadd.s32 s4, s2;
	s15 =	sand.u32 $0x1FFFFFF0, s13;
	s16 =	spop (v2sf)  }
0x6b: {  	[tilespmem:s11], [sflag:$0x2] =	stream.linear.gather [hbm4b:s14+s1], $0x80, $0x38;
	[tilespmem:$0x10400] =	vst v63  }
0x6c: {  	s17 =	sadd.s32 s3, s15;
	s18 =	sand.u32 $0x1FFFFFF0, s16;
	s21 =	spop (v2sf)  }
0x6d: {  	[tilespmem:s28], [sflag:$0x1] =	stream.linear.gather [hbm4b:s17+s1], $0x80, $0x38;
	[tilespmem:$0x10400] =	vst v63  }
0x6e: {  	s22 =	sadd.s32 s4, s18;
	s23 =	sand.u32 $0x1FFFFFF0, s21;
	s30 =	spop (v2sf)  }
0x6f: {  	[tilespmem:s26], [sflag:$0x2] =	stream.linear.gather [hbm4b:s22+s1], $0x80, $0x38;
	[tilespmem:$0x10400] =	vst v63  }
0x70: {  	s31 =	sadd.s32 $0xB80, s19;
	s2 =	sadd.s32 s3, s23;
	s5 =	sand.u32 $0x1FFFFFF0, s30  }
0x71: {  	[tilespmem:s31], [sflag:$0x1] =	stream.linear.gather [hbm4b:s2+s1], $0x80, $0x38;
	[tilespmem:$0x10400] =	vst v63  }
0x72: {  	s5 =	sadd.s32 s4, s5;
	s2 =	sadd.s32 $0x8B80, s19  }
0x73: {  	[tilespmem:s2], [sflag:$0x2] =	stream.linear.gather [hbm4b:s5+s1], $0x80, $0x38;
	[tilespmem:$0x10400] =	vst v63  }
0x74: {  	v0 =	vld [tilespmem:s24+$0x0];
	_ =	sdelay $0x1  }
0x75: {  	v2 =	vld [tilespmem:s25+$0x0];
	_ =	sdelay $0x2  }
0x76: {  	v1 =	vshll.u32 v0, $0x4  }
0x77: {  	(v2sf) =	vpush v1, $0x0  }
0x78: {  	s6 =	smov.u32 s20;
	v63 =	vshll.u32 v2, $0x4  }
0x79: {  	p0 =	sne.s32 s20, $0x1E000;
	s19 =	sshra.s32 s6, $0x2;
	(v2sf) =	vpush v63, $0x0  }
0x7a: {  	s20 =	sadd.s32 $0x2000, s20;
	s31 =	sadd.s32 $0x8400, s19;
	s0 =	sadd.s32 $0x680, s19;
	(v2sf) =	vpush v1, $0x1  }
0x7b: {  	s7 =	sadd.s32 $0x880, s19;
	s13 =	sadd.s32 $0x600, s19;
	s8 =	sadd.s32 $0x8900, s19  }
0x7c: {  	s18 =	sadd.s32 $0x580, s19;
	s17 =	sadd.s32 $0x8580, s19;
	s21 =	sadd.s32 $0x500, s19;
	(v2sf) =	vpush v63, $0x1  }
0x7d: {  	s15 =	sadd.s32 $0x8600, s19;
	s30 =	sadd.s32 $0x8480, s19;
	s12 =	sadd.s32 $0x8680, s19  }
0x7e: {  	s6 =	sadd.s32 $0x700, s19;
	s11 =	sadd.s32 $0x8A80, s19;
	s10 =	sadd.s32 $0x8700, s19;
	(v2sf) =	vpush v1, $0x2  }
0x7f: {  	s9 =	sadd.s32 $0x8880, s19;
	s14 =	sadd.s32 $0x900, s19;
	[dreg:$0x14] =	wrdreg s0  }
0x80: {  	s16 =	sadd.s32 $0x8800, s19;
	s29 =	sadd.s32 $0xA00, s19;
	[dreg:$0x8] =	wrdreg s7;
	(v2sf) =	vpush v63, $0x2  }
0x81: {  	s28 =	sadd.s32 $0xB00, s19;
	s26 =	sadd.s32 $0x8B00, s19;
	[dreg:$0x4] =	wrdreg s8  }
0x82: {  	s2 =	sadd.s32 $0x400, s19;
	s7 =	sadd.s32 $0x8A00, s19;
	[dreg:$0xc] =	wrdreg s9;
	(v2sf) =	vpush v1, $0x3  }
0x83: {  	s5 =	sadd.s32 $0xA80, s19;
	s0 =	sadd.s32 $0x8500, s19;
	[dreg:$0xa] =	wrdreg s14  }
0x84: {  	s8 =	sadd.s32 $0x8980, s19;
	s9 =	sadd.s32 $0x780, s19;
	[dreg:$0x10] =	wrdreg s16;
	(v2sf) =	vpush v63, $0x3  }
0x85: {  	s14 =	sadd.s32 $0x480, s19;
	s16 =	sadd.s32 $0x800, s19;
	[dreg:$0x6] =	wrdreg s8  }
0x86: {  	s8 =	sadd.s32 $0x8780, s19;
	[dreg:$0x12] =	wrdreg s16;
	(v2sf) =	vpush v1, $0x4;
	s22 =	spop (v2sf)  }
0x87: {  	s24 =	sadd.s32 $0x10, s24;
	s16 =	sand.u32 $0x1FFFFFF0, s22;
	s22 =	sadd.s32 $0x980, s19  }
0x88: {  	s25 =	sadd.s32 $0x10, s25;
	s23 =	spop (v2sf);
	(v2sf) =	vpush v63, $0x4;
	[dreg:$0xe] =	wrdreg s22  }
0x89: {  	s16 =	sadd.s32 s3, s16;
	s22 =	sand.u32 $0x1FFFFFF0, s23;
	s23 =	spop (v2sf)  }
0x8a: {  	(v2sf) =	vpush v1, $0x5;
	[tilespmem:s2], [sflag:$0x1] =	stream.linear.gather [hbm4b:s16+s1], $0x80, $0x38;
	[tilespmem:$0x10400] =	vst v63  }
0x8b: {  	s16 =	sadd.s32 s4, s22;
	s22 =	sand.u32 $0x1FFFFFF0, s23;
	s23 =	spop (v2sf);
	(v2sf) =	vpush v63, $0x5  }
0x8c: {  	[tilespmem:s31], [sflag:$0x2] =	stream.linear.gather [hbm4b:s16+s1], $0x80, $0x38;
	[tilespmem:$0x10400] =	vst v63  }
0x8d: {  	s23 =	sand.u32 $0x1FFFFFF0, s23;
	s16 =	sadd.s32 s3, s22;
	s31 =	spop (v2sf);
	(v2sf) =	vpush v1, $0x6  }
0x8e: {  	[tilespmem:s14], [sflag:$0x1] =	stream.linear.gather [hbm4b:s16+s1], $0x80, $0x38;
	[tilespmem:$0x10400] =	vst v63  }
0x8f: {  	s16 =	sadd.s32 s4, s23;
	s23 =	sand.u32 $0x1FFFFFF0, s31;
	s31 =	spop (v2sf);
	(v2sf) =	vpush v63, $0x6  }
0x90: {  	[tilespmem:s30], [sflag:$0x2] =	stream.linear.gather [hbm4b:s16+s1], $0x80, $0x38;
	[tilespmem:$0x10400] =	vst v63  }
0x91: {  	s14 =	sadd.s32 s3, s23;
	s22 =	spop (v2sf);
	(v2sf) =	vpush v1, $0x7;
	s16 =	sand.u32 $0x1FFFFFF0, s31  }
0x92: {  	[tilespmem:s21], [sflag:$0x1] =	stream.linear.gather [hbm4b:s14+s1], $0x80, $0x38;
	[tilespmem:$0x10400] =	vst v63  }
0x93: {  	s30 =	sand.u32 $0x1FFFFFF0, s22;
	s31 =	spop (v2sf);
	s23 =	sadd.s32 s4, s16  }
0x94: {  	(v2sf) =	vpush v63, $0x7;
	[tilespmem:s0], [sflag:$0x2] =	stream.linear.gather [hbm4b:s23+s1], $0x80, $0x38;
	[tilespmem:$0x10400] =	vst v63  }
0x95: {  	s2 =	sadd.s32 s3, s30;
	s16 =	spop (v2sf);
	s14 =	sand.u32 $0x1FFFFFF0, s31  }
0x96: {  	(v2sf) =	vpush v1, $0x8;
	[tilespmem:s18], [sflag:$0x1] =	stream.linear.gather [hbm4b:s2+s1], $0x80, $0x38;
	[tilespmem:$0x10400] =	vst v63  }
0x97: {  	s21 =	sand.u32 $0x1FFFFFF0, s16;
	s18 =	sadd.s32 s4, s14;
	s22 =	spop (v2sf)  }
0x98: {  	[tilespmem:s17], [sflag:$0x2] =	stream.linear.gather [hbm4b:s18+s1], $0x80, $0x38;
	[tilespmem:$0x10400] =	vst v63  }
0x99: {  	s23 =	sadd.s32 s3, s21;
	s14 =	smov.u32 s5;
	s31 =	spop (v2sf)  }
0x9a: {  	(v2sf) =	vpush v63, $0x8;
	s30 =	sand.u32 $0x1FFFFFF0, s22;
	s22 =	rddreg [dreg:$0x14];
	s16 =	spop (v2sf)  }
0x9b: {  	[tilespmem:s13], [sflag:$0x1] =	stream.linear.gather [hbm4b:s23+s1], $0x80, $0x38;
	[tilespmem:$0x10400] =	vst v63  }
0x9c: {  	(v2sf) =	vpush v1, $0x9;
	s2 =	sadd.s32 s4, s30;
	s13 =	sand.u32 $0x1FFFFFF0, s31;
	s21 =	spop (v2sf)  }
0x9d: {  	(v2sf) =	vpush v63, $0x9;
	[tilespmem:s15], [sflag:$0x2] =	stream.linear.gather [hbm4b:s2+s1], $0x80, $0x38;
	[tilespmem:$0x10400] =	vst v63  }
0x9e: {  	s18 =	sand.u32 $0x1FFFFFF0, s16;
	s17 =	sadd.s32 s3, s13;
	s31 =	spop (v2sf)  }
0x9f: {  	[tilespmem:s22], [sflag:$0x1] =	stream.linear.gather [hbm4b:s17+s1], $0x80, $0x38;
	[tilespmem:$0x10400] =	vst v63  }
0xa0: {  	s23 =	sadd.s32 s4, s18;
	s30 =	sand.u32 $0x1FFFFFF0, s21;
	s15 =	spop (v2sf)  }
0xa1: {  	(v2sf) =	vpush v1, $0xA;
	s13 =	smov.u32 s7;
	s5 =	sadd.s32 s3, s30;
	s17 =	sand.u32 $0x1FFFFFF0, s15  }
0xa2: {  	[tilespmem:s12], [sflag:$0x2] =	stream.linear.gather [hbm4b:s23+s1], $0x80, $0x38;
	[tilespmem:$0x10400] =	vst v63  }
0xa3: {  	(v2sf) =	vpush v63, $0xA;
	s18 =	spop (v2sf);
	s12 =	sand.u32 $0x1FFFFFF0, s31;
	s21 =	sadd.s32 s3, s17  }
0xa4: {  	[tilespmem:s6], [sflag:$0x1] =	stream.linear.gather [hbm4b:s5+s1], $0x80, $0x38;
	[tilespmem:$0x10400] =	vst v63  }
0xa5: {  	s22 =	sand.u32 $0x1FFFFFF0, s18;
	s23 =	spop (v2sf);
	s16 =	sadd.s32 s4, s12  }
0xa6: {  	[tilespmem:s10], [sflag:$0x2] =	stream.linear.gather [hbm4b:s16+s1], $0x80, $0x38;
	[tilespmem:$0x10400] =	vst v63  }
0xa7: {  	(v2sf) =	vpush v1, $0xB;
	s30 =	sadd.s32 s4, s22;
	s31 =	sand.u32 $0x1FFFFFF0, s23;
	s22 =	rddreg [dreg:$0x8]  }
0xa8: {  	[tilespmem:s9], [sflag:$0x1] =	stream.linear.gather [hbm4b:s21+s1], $0x80, $0x38;
	[tilespmem:$0x10400] =	vst v63  }
0xa9: {  	(v2sf) =	vpush v63, $0xB;
	s6 =	sadd.s32 s3, s31;
	s16 =	rddreg [dreg:$0x10];
	s5 =	spop (v2sf)  }
0xaa: {  	(v2sf) =	vpush v1, $0xC;
	[tilespmem:s8], [sflag:$0x2] =	stream.linear.gather [hbm4b:s30+s1], $0x80, $0x38;
	[tilespmem:$0x10400] =	vst v63  }
0xab: {  	s9 =	rddreg [dreg:$0x12];
	s7 =	sand.u32 $0x1FFFFFF0, s5;
	s8 =	spop (v2sf)  }
0xac: {  	(v2sf) =	vpush v63, $0xC;
	s10 =	sadd.s32 s4, s7;
	s12 =	sand.u32 $0x1FFFFFF0, s8;
	s15 =	spop (v2sf)  }
0xad: {  	[tilespmem:s9], [sflag:$0x1] =	stream.linear.gather [hbm4b:s6+s1], $0x80, $0x38;
	[tilespmem:$0x10400] =	vst v63  }
0xae: {  	s7 =	rddreg [dreg:$0xc];
	s17 =	sadd.s32 s3, s12;
	s18 =	sand.u32 $0x1FFFFFF0, s15  }
0xaf: {  	[tilespmem:s16], [sflag:$0x2] =	stream.linear.gather [hbm4b:s10+s1], $0x80, $0x38;
	[tilespmem:$0x10400] =	vst v63  }
0xb0: {  	s21 =	spop (v2sf);
	s12 =	rddreg [dreg:$0xa];
	s23 =	sadd.s32 s4, s18  }
0xb1: {  	[tilespmem:s22], [sflag:$0x1] =	stream.linear.gather [hbm4b:s17+s1], $0x80, $0x38;
	[tilespmem:$0x10400] =	vst v63  }
0xb2: {  	s30 =	sand.u32 $0x1FFFFFF0, s21;
	s18 =	rddreg [dreg:$0x4];
	s31 =	spop (v2sf)  }
0xb3: {  	[tilespmem:s7], [sflag:$0x2] =	stream.linear.gather [hbm4b:s23+s1], $0x80, $0x38;
	[tilespmem:$0x10400] =	vst v63  }
0xb4: {  	s8 =	sadd.s32 s3, s30;
	s30 =	rddreg [dreg:$0xe];
	s9 =	sand.u32 $0x1FFFFFF0, s31  }
0xb5: {  	[tilespmem:s12], [sflag:$0x1] =	stream.linear.gather [hbm4b:s8+s1], $0x80, $0x38;
	[tilespmem:$0x10400] =	vst v63  }
0xb6: {  	s10 =	spop (v2sf);
	s31 =	rddreg [dreg:$0x6];
	s15 =	sadd.s32 s4, s9  }
0xb7: {  	(v2sf) =	vpush v1, $0xD;
	[tilespmem:s18], [sflag:$0x2] =	stream.linear.gather [hbm4b:s15+s1], $0x80, $0x38;
	[tilespmem:$0x10400] =	vst v63  }
.Ltmp0:
0xb8: {  	(v2sf) =	vpush v63, $0xD;
	s16 =	sand.u32 $0x1FFFFFF0, s10;
	s17 =	spop (v2sf);
	(pc) =	sbr.rel @p0 .LBB2_2-.Ltmp0, $4  }
0xb9: {  	(v2sf) =	vpush v1, $0xE;
	s21 =	sadd.s32 s3, s16;
	s22 =	sand.u32 $0x1FFFFFF0, s17;
	s23 =	spop (v2sf)  }
0xba: {  	(v2sf) =	vpush v63, $0xE;
	[tilespmem:s30], [sflag:$0x1] =	stream.linear.gather [hbm4b:s21+s1], $0x80, $0x38;
	[tilespmem:$0x10400] =	vst v63  }
0xbb: {  	(v2sf) =	vpush v1, $0xF;
	s2 =	sadd.s32 s4, s22;
	s0 =	sand.u32 $0x1FFFFFF0, s23;
	s5 =	spop (v2sf)  }
0xbc: {  	(v2sf) =	vpush v63, $0xF;
	[tilespmem:s31], [sflag:$0x2] =	stream.linear.gather [hbm4b:s2+s1], $0x80, $0x38;
	[tilespmem:$0x10400] =	vst v63  }
0xbd: {  	_ =	sdelay $0x4  }
0xbe: {  	s0 =	sadd.s32 s3, s0;
	s2 =	sand.u32 $0x1FFFFFF0, s5  }
0xbf: {  	[tilespmem:s29], [sflag:$0x1] =	stream.linear.gather [hbm4b:s0+s1], $0x80, $0x38;
	[tilespmem:$0x10400] =	vst v63  }
0xc0: {  	s22 =	sadd.s32 s4, s2  }
0xc1: {  	[tilespmem:s13], [sflag:$0x2] =	stream.linear.gather [hbm4b:s22+s1], $0x80, $0x38;
	[tilespmem:$0x10400] =	vst v63  }
0xc2: {  	s21 =	spop (v2sf)  }
0xc3: {  	s23 =	sand.u32 $0x1FFFFFF0, s21;
	s24 =	spop (v2sf)  }
0xc4: {  	s25 =	sadd.s32 s3, s23;
	s30 =	sand.u32 $0x1FFFFFF0, s24;
	s31 =	spop (v2sf)  }
0xc5: {  	[tilespmem:s14], [sflag:$0x1] =	stream.linear.gather [hbm4b:s25+s1], $0x80, $0x38;
	[tilespmem:$0x10400] =	vst v63  }
0xc6: {  	s2 =	sadd.s32 s4, s30;
	s6 =	sand.u32 $0x1FFFFFF0, s31;
	s7 =	spop (v2sf)  }
0xc7: {  	[tilespmem:s11], [sflag:$0x2] =	stream.linear.gather [hbm4b:s2+s1], $0x80, $0x38;
	[tilespmem:$0x10400] =	vst v63  }
0xc8: {  	s8 =	sadd.s32 s3, s6;
	s9 =	sand.u32 $0x1FFFFFF0, s7;
	s10 =	spop (v2sf)  }
0xc9: {  	[tilespmem:s28], [sflag:$0x1] =	stream.linear.gather [hbm4b:s8+s1], $0x80, $0x38;
	[tilespmem:$0x10400] =	vst v63  }
0xca: {  	s11 =	sadd.s32 s4, s9;
	s12 =	sand.u32 $0x1FFFFFF0, s10;
	s13 =	spop (v2sf)  }
0xcb: {  	[tilespmem:s26], [sflag:$0x2] =	stream.linear.gather [hbm4b:s11+s1], $0x80, $0x38;
	[tilespmem:$0x10400] =	vst v63  }
0xcc: {  	s14 =	sadd.s32 $0xB80, s19;
	s2 =	sadd.s32 s3, s12;
	s5 =	sand.u32 $0x1FFFFFF0, s13  }
0xcd: {  	[tilespmem:s14], [sflag:$0x1] =	stream.linear.gather [hbm4b:s2+s1], $0x80, $0x38;
	[tilespmem:$0x10400] =	vst v63  }
0xce: {  	s15 =	sadd.s32 $0x8B80, s19;
	s17 =	simm.s32 $0x1;
	s16 =	sadd.s32 s4, s5  }
0xcf: {  	[tilespmem:s15], [sflag:$0x2] =	stream.linear.gather [hbm4b:s16+s1], $0x80, $0x38;
	[tilespmem:$0x10400] =	vst v63  }
0xd0: {  	_ =	swait.ge [sflag:s17], $0x8000  }
0xd1: {  	s18 =	simm.s32 $0x0;
	s20 =	simm.s32 $0x400;
	[sflag:s17] =	ssyncset.done $0x0  }
0xd2: {  	s21 =	simm.s32 $0x2;
	s19 =	rddreg [dreg:$0x18];
	[sflag:s17] =	ssyncadd.s32 $0xFFFF8000  }
0xd3: {  	[hbm4b:s19+s18] =	stream.linear.scatter [tilespmem:s20], [sflag:$0x3], $0x8000, $0x38;
	[tilespmem:$0x10400] =	vst v63  }
0xd4: {  	_ =	swait.ge [sflag:s21], $0x8000  }
0xd5: {  	s23 =	simm.s32 $0x8400;
	[sflag:s21] =	ssyncset.done $0x0  }
0xd6: {  	s24 =	simm.s32 $0x3;
	s22 =	rddreg [dreg:$0x19];
	[sflag:s21] =	ssyncadd.s32 $0xFFFF8000  }
0xd7: {  	[hbm4b:s22+s18] =	stream.linear.scatter [tilespmem:s23], [sflag:$0x3], $0x8000, $0x38;
	[tilespmem:$0x10400] =	vst v63  }
0xd8: {  	_ =	swait.ge [sflag:s24], $0x8000  }
0xd9: {  	[sflag:s24] =	ssyncset.done $0x0  }
0xda: {  	[sflag:s24] =	ssyncadd.s32 $0xFFFF8000  }
0xdb: {  	_ =	swait.ge [sflag:s24], $0x8000  }
0xdc: {  	[sflag:s24] =	ssyncset.done $0x0  }
0xdd: {  	s25 =	simm.s32 $0x100;
	[sflag:s24] =	ssyncadd.s32 $0xFFFF8000  }
0xde: {  	v0 =	vld [tilespmem:s25+$0x0]  }
0xdf: {  	s26 =	simm.s32 $0x300  }
0xe0: {  	v2 =	vld [tilespmem:s26+$0x0];
	_ =	sdelay $0x2  }
0xe1: {  	v1 =	vshll.u32 v0, $0x4  }
0xe2: {  	(v2sf) =	vpush v1, $0x0  }
0xe3: {  	v63 =	vshll.u32 v2, $0x4  }
0xe4: {  	(v2sf) =	vpush v63, $0x0;
	_ =	sdelay $0x1  }
0xe5: {  	(v2sf) =	vpush v1, $0x1  }
0xe6: {  	(v2sf) =	vpush v63, $0x1  }
0xe7: {  	(v2sf) =	vpush v1, $0x2;
	_ =	sdelay $0x1  }
0xe8: {  	(v2sf) =	vpush v63, $0x2;
	_ =	sdelay $0x1  }
0xe9: {  	(v2sf) =	vpush v1, $0x3  }
0xea: {  	s0 =	simm.s32 $0x8900  }
0xeb: {  	s29 =	simm.s32 $0xA00;
	s30 =	simm.s32 $0x8400;
	s6 =	simm.s32 $0x880  }
0xec: {  	s7 =	simm.s32 $0x400;
	s9 =	simm.s32 $0x600;
	s10 =	simm.s32 $0x580  }
0xed: {  	s13 =	simm.s32 $0x480;
	s5 =	simm.s32 $0x680;
	s28 =	simm.s32 $0xB00;
	(v2sf) =	vpush v63, $0x3  }
0xee: {  	s16 =	simm.s32 $0x8480;
	s20 =	simm.s32 $0x2000;
	s8 =	spop (v2sf)  }
0xef: {  	s19 =	simm.s32 $0x0;
	s18 =	simm.s32 $0x500;
	s8 =	sand.u32 $0x1FFFFFF0, s8  }
0xf0: {  	s23 =	simm.s32 $0x8500;
	s31 =	spop (v2sf);
	s8 =	sadd.s32 s3, s8  }
0xf1: {  	(v2sf) =	vpush v1, $0x4;
	[tilespmem:s7], [sflag:$0x1] =	stream.linear.gather [hbm4b:s8+s1], $0x80, $0x38;
	[tilespmem:$0x10400] =	vst v63  }
0xf2: {  	(v2sf) =	vpush v63, $0x4;
	s11 =	sand.u32 $0x1FFFFFF0, s31;
	s12 =	spop (v2sf);
	s7 =	simm.s32 $0x8580  }
0xf3: {  	s8 =	sadd.s32 s4, s11;
	s11 =	sand.u32 $0x1FFFFFF0, s12;
	s12 =	spop (v2sf)  }
0xf4: {  	(v2sf) =	vpush v1, $0x5;
	s14 =	sadd.s32 s3, s11;
	s15 =	sand.u32 $0x1FFFFFF0, s12;
	s17 =	spop (v2sf)  }
0xf5: {  	[tilespmem:s30], [sflag:$0x2] =	stream.linear.gather [hbm4b:s8+s1], $0x80, $0x38;
	[tilespmem:$0x10400] =	vst v63  }
0xf6: {  	(v2sf) =	vpush v63, $0x5;
	s12 =	simm.s32 $0x780;
	s11 =	sadd.s32 s4, s15;
	s21 =	spop (v2sf)  }
0xf7: {  	[tilespmem:s13], [sflag:$0x1] =	stream.linear.gather [hbm4b:s14+s1], $0x80, $0x38;
	[tilespmem:$0x10400] =	vst v63  }
0xf8: {  	(v2sf) =	vpush v1, $0x6;
	s8 =	sand.u32 $0x1FFFFFF0, s17;
	s30 =	simm.s32 $0x8600;
	s22 =	spop (v2sf)  }
0xf9: {  	[tilespmem:s16], [sflag:$0x2] =	stream.linear.gather [hbm4b:s11+s1], $0x80, $0x38;
	[tilespmem:$0x10400] =	vst v63  }
0xfa: {  	s8 =	sadd.s32 s3, s8;
	(v2sf) =	vpush v63, $0x6;
	s25 =	sand.u32 $0x1FFFFFF0, s22;
	s11 =	sand.u32 $0x1FFFFFF0, s21  }
0xfb: {  	[tilespmem:s18], [sflag:$0x1] =	stream.linear.gather [hbm4b:s8+s1], $0x80, $0x38;
	[tilespmem:$0x10400] =	vst v63  }
0xfc: {  	s13 =	simm.s32 $0x8A00;
	s26 =	spop (v2sf);
	s24 =	sadd.s32 s4, s11  }
0xfd: {  	[tilespmem:s23], [sflag:$0x2] =	stream.linear.gather [hbm4b:s24+s1], $0x80, $0x38;
	[tilespmem:$0x10400] =	vst v63  }
0xfe: {  	(v2sf) =	vpush v1, $0x7;
	s14 =	simm.s32 $0xA80;
	s16 =	simm.s32 $0x8680;
	s11 =	sadd.s32 s3, s25  }
0xff: {  	[tilespmem:s10], [sflag:$0x1] =	stream.linear.gather [hbm4b:s11+s1], $0x80, $0x38;
	[tilespmem:$0x10400] =	vst v63  }
0x100: {  	(v2sf) =	vpush v63, $0x7;
	s8 =	sand.u32 $0x1FFFFFF0, s26;
	s18 =	simm.s32 $0x700;
	s31 =	spop (v2sf)  }
0x101: {  	s8 =	sadd.s32 s4, s8;
	s11 =	sand.u32 $0x1FFFFFF0, s31;
	s2 =	spop (v2sf)  }
0x102: {  	(v2sf) =	vpush v1, $0x8;
	[tilespmem:s7], [sflag:$0x2] =	stream.linear.gather [hbm4b:s8+s1], $0x80, $0x38;
	[tilespmem:$0x10400] =	vst v63  }
0x103: {  	s11 =	sadd.s32 s3, s11;
	s15 =	sand.u32 $0x1FFFFFF0, s2;
	s17 =	spop (v2sf)  }
0x104: {  	(v2sf) =	vpush v63, $0x8;
	[tilespmem:s9], [sflag:$0x1] =	stream.linear.gather [hbm4b:s11+s1], $0x80, $0x38;
	[tilespmem:$0x10400] =	vst v63  }
0x105: {  	s8 =	sadd.s32 s4, s15;
	s9 =	sand.u32 $0x1FFFFFF0, s17;
	s21 =	spop (v2sf)  }
0x106: {  	(v2sf) =	vpush v1, $0x9;
	s11 =	simm.s32 $0x8A80;
	s17 =	simm.s32 $0x8780;
	s9 =	sadd.s32 s3, s9  }
0x107: {  	(v2sf) =	vpush v63, $0x9;
	s10 =	sand.u32 $0x1FFFFFF0, s21;
	s22 =	spop (v2sf);
	s21 =	simm.s32 $0x800  }
0x108: {  	[tilespmem:s30], [sflag:$0x2] =	stream.linear.gather [hbm4b:s8+s1], $0x80, $0x38;
	[tilespmem:$0x10400] =	vst v63  }
0x109: {  	(v2sf) =	vpush v1, $0xA;
	s23 =	sadd.s32 s4, s10;
	s24 =	sand.u32 $0x1FFFFFF0, s22;
	s25 =	spop (v2sf)  }
0x10a: {  	[tilespmem:s5], [sflag:$0x1] =	stream.linear.gather [hbm4b:s9+s1], $0x80, $0x38;
	[tilespmem:$0x10400] =	vst v63  }
0x10b: {  	s30 =	simm.s32 $0x8700;
	(v2sf) =	vpush v63, $0xA;
	s26 =	sadd.s32 s3, s24;
	s7 =	sand.u32 $0x1FFFFFF0, s25  }
0x10c: {  	[tilespmem:s16], [sflag:$0x2] =	stream.linear.gather [hbm4b:s23+s1], $0x80, $0x38;
	[tilespmem:$0x10400] =	vst v63  }
0x10d: {  	s31 =	spop (v2sf);
	(v2sf) =	vpush v1, $0xB;
	s24 =	simm.s32 $0x8800;
	s5 =	simm.s32 $0x8980  }
0x10e: {  	[tilespmem:s18], [sflag:$0x1] =	stream.linear.gather [hbm4b:s26+s1], $0x80, $0x38;
	[tilespmem:$0x10400] =	vst v63  }
0x10f: {  	s7 =	sadd.s32 s4, s7;
	s9 =	sand.u32 $0x1FFFFFF0, s31;
	s2 =	spop (v2sf);
	(v2sf) =	vpush v63, $0xB  }
0x110: {  	[tilespmem:s30], [sflag:$0x2] =	stream.linear.gather [hbm4b:s7+s1], $0x80, $0x38;
	[tilespmem:$0x10400] =	vst v63  }
0x111: {  	s15 =	sadd.s32 s3, s9;
	s16 =	sand.u32 $0x1FFFFFF0, s2;
	s18 =	spop (v2sf)  }
0x112: {  	[tilespmem:s12], [sflag:$0x1] =	stream.linear.gather [hbm4b:s15+s1], $0x80, $0x38;
	[tilespmem:$0x10400] =	vst v63  }
0x113: {  	s2 =	simm.s32 $0x900;
	s9 =	sadd.s32 s4, s16;
	s22 =	spop (v2sf)  }
0x114: {  	[tilespmem:s17], [sflag:$0x2] =	stream.linear.gather [hbm4b:s9+s1], $0x80, $0x38;
	[tilespmem:$0x10400] =	vst v63  }
0x115: {  	s30 =	simm.s32 $0x8880;
	s8 =	sand.u32 $0x1FFFFFF0, s18;
	(v2sf) =	vpush v1, $0xC;
	s23 =	spop (v2sf)  }
0x116: {  	s8 =	sadd.s32 s3, s8;
	s9 =	sand.u32 $0x1FFFFFF0, s22;
	s31 =	spop (v2sf)  }
0x117: {  	(v2sf) =	vpush v63, $0xC;
	[tilespmem:s21], [sflag:$0x1] =	stream.linear.gather [hbm4b:s8+s1], $0x80, $0x38;
	[tilespmem:$0x10400] =	vst v63  }
0x118: {  	s25 =	sadd.s32 s4, s9;
	s26 =	sand.u32 $0x1FFFFFF0, s23;
	s12 =	spop (v2sf)  }
0x119: {  	[tilespmem:s24], [sflag:$0x2] =	stream.linear.gather [hbm4b:s25+s1], $0x80, $0x38;
	[tilespmem:$0x10400] =	vst v63  }
0x11a: {  	s9 =	sadd.s32 s3, s26;
	s8 =	sand.u32 $0x1FFFFFF0, s31;
	s15 =	spop (v2sf)  }
0x11b: {  	[tilespmem:s6], [sflag:$0x1] =	stream.linear.gather [hbm4b:s9+s1], $0x80, $0x38;
	[tilespmem:$0x10400] =	vst v63  }
0x11c: {  	s8 =	sadd.s32 s4, s8;
	s18 =	spop (v2sf);
	s9 =	sand.u32 $0x1FFFFFF0, s12  }
0x11d: {  	[tilespmem:s30], [sflag:$0x2] =	stream.linear.gather [hbm4b:s8+s1], $0x80, $0x38;
	[tilespmem:$0x10400] =	vst v63  }
0x11e: {  	s17 =	sand.u32 $0x1FFFFFF0, s15;
	s23 =	spop (v2sf);
	s16 =	sadd.s32 s3, s9  }
0x11f: {  	[tilespmem:s2], [sflag:$0x1] =	stream.linear.gather [hbm4b:s16+s1], $0x80, $0x38;
	[tilespmem:$0x10400] =	vst v63  }
0x120: {  	s21 =	sadd.s32 s4, s17;
	s22 =	sand.u32 $0x1FFFFFF0, s18;
	s26 =	sand.u32 $0x1FFFFFF0, s23  }
0x121: {  	(v2sf) =	vpush v1, $0xD;
	[tilespmem:s0], [sflag:$0x2] =	stream.linear.gather [hbm4b:s21+s1], $0x80, $0x38;
	[tilespmem:$0x10400] =	vst v63  }
0x122: {  	s24 =	simm.s32 $0x980;
	(v2sf) =	vpush v63, $0xD;
	s25 =	sadd.s32 s3, s22;
	s30 =	sadd.s32 s4, s26  }
0x123: {  	(v2sf) =	vpush v1, $0xE;
	[tilespmem:s24], [sflag:$0x1] =	stream.linear.gather [hbm4b:s25+s1], $0x80, $0x38;
	[tilespmem:$0x10400] =	vst v63  }
0x124: {  	(v2sf) =	vpush v63, $0xE;
	s26 =	simm.s32 $0x8B00;
	s31 =	spop (v2sf);
	s24 =	simm.s32 $0x110  }
0x125: {  	(v2sf) =	vpush v1, $0xF;
	[tilespmem:s5], [sflag:$0x2] =	stream.linear.gather [hbm4b:s30+s1], $0x80, $0x38;
	[tilespmem:$0x10400] =	vst v63  }
0x126: {  	(v2sf) =	vpush v63, $0xF;
	s25 =	simm.s32 $0x310;
	s0 =	sand.u32 $0x1FFFFFF0, s31;
	s5 =	spop (v2sf)  }
.LBB2_4:
0x127: {  	_ =	sdelay $0x4  }
0x128: {  	s0 =	sadd.s32 s3, s0;
	s5 =	sand.u32 $0x1FFFFFF0, s5  }
0x129: {  	[tilespmem:s29], [sflag:$0x1] =	stream.linear.gather [hbm4b:s0+s1], $0x80, $0x38;
	[tilespmem:$0x10400] =	vst v63  }
0x12a: {  	s8 =	sadd.s32 s4, s5  }
0x12b: {  	[tilespmem:s13], [sflag:$0x2] =	stream.linear.gather [hbm4b:s8+s1], $0x80, $0x38;
	[tilespmem:$0x10400] =	vst v63  }
0x12c: {  	s6 =	spop (v2sf)  }
0x12d: {  	s9 =	sand.u32 $0x1FFFFFF0, s6;
	s10 =	spop (v2sf)  }
0x12e: {  	s12 =	sadd.s32 s3, s9;
	s2 =	sand.u32 $0x1FFFFFF0, s10;
	s13 =	spop (v2sf)  }
0x12f: {  	[tilespmem:s14], [sflag:$0x1] =	stream.linear.gather [hbm4b:s12+s1], $0x80, $0x38;
	[tilespmem:$0x10400] =	vst v63  }
0x130: {  	s14 =	sadd.s32 s4, s2;
	s15 =	sand.u32 $0x1FFFFFF0, s13;
	s16 =	spop (v2sf)  }
0x131: {  	[tilespmem:s11], [sflag:$0x2] =	stream.linear.gather [hbm4b:s14+s1], $0x80, $0x38;
	[tilespmem:$0x10400] =	vst v63  }
0x132: {  	s17 =	sadd.s32 s3, s15;
	s18 =	sand.u32 $0x1FFFFFF0, s16;
	s21 =	spop (v2sf)  }
0x133: {  	[tilespmem:s28], [sflag:$0x1] =	stream.linear.gather [hbm4b:s17+s1], $0x80, $0x38;
	[tilespmem:$0x10400] =	vst v63  }
0x134: {  	s22 =	sadd.s32 s4, s18;
	s23 =	sand.u32 $0x1FFFFFF0, s21;
	s30 =	spop (v2sf)  }
0x135: {  	[tilespmem:s26], [sflag:$0x2] =	stream.linear.gather [hbm4b:s22+s1], $0x80, $0x38;
	[tilespmem:$0x10400] =	vst v63  }
0x136: {  	s31 =	sadd.s32 $0xB80, s19;
	s2 =	sadd.s32 s3, s23;
	s5 =	sand.u32 $0x1FFFFFF0, s30  }
0x137: {  	[tilespmem:s31], [sflag:$0x1] =	stream.linear.gather [hbm4b:s2+s1], $0x80, $0x38;
	[tilespmem:$0x10400] =	vst v63  }
0x138: {  	s5 =	sadd.s32 s4, s5;
	s2 =	sadd.s32 $0x8B80, s19  }
0x139: {  	[tilespmem:s2], [sflag:$0x2] =	stream.linear.gather [hbm4b:s5+s1], $0x80, $0x38;
	[tilespmem:$0x10400] =	vst v63  }
0x13a: {  	v0 =	vld [tilespmem:s24+$0x0];
	_ =	sdelay $0x1  }
0x13b: {  	v2 =	vld [tilespmem:s25+$0x0];
	_ =	sdelay $0x2  }
0x13c: {  	v1 =	vshll.u32 v0, $0x4  }
0x13d: {  	(v2sf) =	vpush v1, $0x0  }
0x13e: {  	s6 =	smov.u32 s20;
	v63 =	vshll.u32 v2, $0x4  }
0x13f: {  	p0 =	sne.s32 s20, $0x1E000;
	s19 =	sshra.s32 s6, $0x2;
	(v2sf) =	vpush v63, $0x0  }
0x140: {  	s20 =	sadd.s32 $0x2000, s20;
	s31 =	sadd.s32 $0x8400, s19;
	s0 =	sadd.s32 $0x680, s19;
	(v2sf) =	vpush v1, $0x1  }
0x141: {  	s7 =	sadd.s32 $0x880, s19;
	s13 =	sadd.s32 $0x600, s19;
	s8 =	sadd.s32 $0x8900, s19  }
0x142: {  	s18 =	sadd.s32 $0x580, s19;
	s17 =	sadd.s32 $0x8580, s19;
	s21 =	sadd.s32 $0x500, s19;
	(v2sf) =	vpush v63, $0x1  }
0x143: {  	s15 =	sadd.s32 $0x8600, s19;
	s30 =	sadd.s32 $0x8480, s19;
	s12 =	sadd.s32 $0x8680, s19  }
0x144: {  	s6 =	sadd.s32 $0x700, s19;
	s11 =	sadd.s32 $0x8A80, s19;
	s10 =	sadd.s32 $0x8700, s19;
	(v2sf) =	vpush v1, $0x2  }
0x145: {  	s9 =	sadd.s32 $0x8880, s19;
	s14 =	sadd.s32 $0x900, s19;
	[dreg:$0x15] =	wrdreg s0  }
0x146: {  	s16 =	sadd.s32 $0x8800, s19;
	s29 =	sadd.s32 $0xA00, s19;
	[dreg:$0x9] =	wrdreg s7;
	(v2sf) =	vpush v63, $0x2  }
0x147: {  	s28 =	sadd.s32 $0xB00, s19;
	s26 =	sadd.s32 $0x8B00, s19;
	[dreg:$0x5] =	wrdreg s8  }
0x148: {  	s2 =	sadd.s32 $0x400, s19;
	s7 =	sadd.s32 $0x8A00, s19;
	[dreg:$0xd] =	wrdreg s9;
	(v2sf) =	vpush v1, $0x3  }
0x149: {  	s5 =	sadd.s32 $0xA80, s19;
	s0 =	sadd.s32 $0x8500, s19;
	[dreg:$0xb] =	wrdreg s14  }
0x14a: {  	s8 =	sadd.s32 $0x8980, s19;
	s9 =	sadd.s32 $0x780, s19;
	[dreg:$0x11] =	wrdreg s16;
	(v2sf) =	vpush v63, $0x3  }
0x14b: {  	s14 =	sadd.s32 $0x480, s19;
	s16 =	sadd.s32 $0x800, s19;
	[dreg:$0x7] =	wrdreg s8  }
0x14c: {  	s8 =	sadd.s32 $0x8780, s19;
	[dreg:$0x13] =	wrdreg s16;
	(v2sf) =	vpush v1, $0x4;
	s22 =	spop (v2sf)  }
0x14d: {  	s24 =	sadd.s32 $0x10, s24;
	s16 =	sand.u32 $0x1FFFFFF0, s22;
	s22 =	sadd.s32 $0x980, s19  }
0x14e: {  	s25 =	sadd.s32 $0x10, s25;
	s23 =	spop (v2sf);
	(v2sf) =	vpush v63, $0x4;
	[dreg:$0xf] =	wrdreg s22  }
0x14f: {  	s16 =	sadd.s32 s3, s16;
	s22 =	sand.u32 $0x1FFFFFF0, s23;
	s23 =	spop (v2sf)  }
0x150: {  	(v2sf) =	vpush v1, $0x5;
	[tilespmem:s2], [sflag:$0x1] =	stream.linear.gather [hbm4b:s16+s1], $0x80, $0x38;
	[tilespmem:$0x10400] =	vst v63  }
0x151: {  	s16 =	sadd.s32 s4, s22;
	s22 =	sand.u32 $0x1FFFFFF0, s23;
	s23 =	spop (v2sf);
	(v2sf) =	vpush v63, $0x5  }
0x152: {  	[tilespmem:s31], [sflag:$0x2] =	stream.linear.gather [hbm4b:s16+s1], $0x80, $0x38;
	[tilespmem:$0x10400] =	vst v63  }
0x153: {  	s23 =	sand.u32 $0x1FFFFFF0, s23;
	s16 =	sadd.s32 s3, s22;
	s31 =	spop (v2sf);
	(v2sf) =	vpush v1, $0x6  }
0x154: {  	[tilespmem:s14], [sflag:$0x1] =	stream.linear.gather [hbm4b:s16+s1], $0x80, $0x38;
	[tilespmem:$0x10400] =	vst v63  }
0x155: {  	s16 =	sadd.s32 s4, s23;
	s23 =	sand.u32 $0x1FFFFFF0, s31;
	s31 =	spop (v2sf);
	(v2sf) =	vpush v63, $0x6  }
0x156: {  	[tilespmem:s30], [sflag:$0x2] =	stream.linear.gather [hbm4b:s16+s1], $0x80, $0x38;
	[tilespmem:$0x10400] =	vst v63  }
0x157: {  	s14 =	sadd.s32 s3, s23;
	s22 =	spop (v2sf);
	(v2sf) =	vpush v1, $0x7;
	s16 =	sand.u32 $0x1FFFFFF0, s31  }
0x158: {  	[tilespmem:s21], [sflag:$0x1] =	stream.linear.gather [hbm4b:s14+s1], $0x80, $0x38;
	[tilespmem:$0x10400] =	vst v63  }
0x159: {  	s30 =	sand.u32 $0x1FFFFFF0, s22;
	s31 =	spop (v2sf);
	s23 =	sadd.s32 s4, s16  }
0x15a: {  	(v2sf) =	vpush v63, $0x7;
	[tilespmem:s0], [sflag:$0x2] =	stream.linear.gather [hbm4b:s23+s1], $0x80, $0x38;
	[tilespmem:$0x10400] =	vst v63  }
0x15b: {  	s2 =	sadd.s32 s3, s30;
	s16 =	spop (v2sf);
	s14 =	sand.u32 $0x1FFFFFF0, s31  }
0x15c: {  	(v2sf) =	vpush v1, $0x8;
	[tilespmem:s18], [sflag:$0x1] =	stream.linear.gather [hbm4b:s2+s1], $0x80, $0x38;
	[tilespmem:$0x10400] =	vst v63  }
0x15d: {  	s21 =	sand.u32 $0x1FFFFFF0, s16;
	s18 =	sadd.s32 s4, s14;
	s22 =	spop (v2sf)  }
0x15e: {  	[tilespmem:s17], [sflag:$0x2] =	stream.linear.gather [hbm4b:s18+s1], $0x80, $0x38;
	[tilespmem:$0x10400] =	vst v63  }
0x15f: {  	s23 =	sadd.s32 s3, s21;
	s14 =	smov.u32 s5;
	s31 =	spop (v2sf)  }
0x160: {  	(v2sf) =	vpush v63, $0x8;
	s30 =	sand.u32 $0x1FFFFFF0, s22;
	s22 =	rddreg [dreg:$0x15];
	s16 =	spop (v2sf)  }
0x161: {  	[tilespmem:s13], [sflag:$0x1] =	stream.linear.gather [hbm4b:s23+s1], $0x80, $0x38;
	[tilespmem:$0x10400] =	vst v63  }
0x162: {  	(v2sf) =	vpush v1, $0x9;
	s2 =	sadd.s32 s4, s30;
	s13 =	sand.u32 $0x1FFFFFF0, s31;
	s21 =	spop (v2sf)  }
0x163: {  	(v2sf) =	vpush v63, $0x9;
	[tilespmem:s15], [sflag:$0x2] =	stream.linear.gather [hbm4b:s2+s1], $0x80, $0x38;
	[tilespmem:$0x10400] =	vst v63  }
0x164: {  	s18 =	sand.u32 $0x1FFFFFF0, s16;
	s17 =	sadd.s32 s3, s13;
	s31 =	spop (v2sf)  }
0x165: {  	[tilespmem:s22], [sflag:$0x1] =	stream.linear.gather [hbm4b:s17+s1], $0x80, $0x38;
	[tilespmem:$0x10400] =	vst v63  }
0x166: {  	s23 =	sadd.s32 s4, s18;
	s30 =	sand.u32 $0x1FFFFFF0, s21;
	s15 =	spop (v2sf)  }
0x167: {  	(v2sf) =	vpush v1, $0xA;
	s13 =	smov.u32 s7;
	s5 =	sadd.s32 s3, s30;
	s17 =	sand.u32 $0x1FFFFFF0, s15  }
0x168: {  	[tilespmem:s12], [sflag:$0x2] =	stream.linear.gather [hbm4b:s23+s1], $0x80, $0x38;
	[tilespmem:$0x10400] =	vst v63  }
0x169: {  	(v2sf) =	vpush v63, $0xA;
	s18 =	spop (v2sf);
	s12 =	sand.u32 $0x1FFFFFF0, s31;
	s21 =	sadd.s32 s3, s17  }
0x16a: {  	[tilespmem:s6], [sflag:$0x1] =	stream.linear.gather [hbm4b:s5+s1], $0x80, $0x38;
	[tilespmem:$0x10400] =	vst v63  }
0x16b: {  	s22 =	sand.u32 $0x1FFFFFF0, s18;
	s23 =	spop (v2sf);
	s16 =	sadd.s32 s4, s12  }
0x16c: {  	[tilespmem:s10], [sflag:$0x2] =	stream.linear.gather [hbm4b:s16+s1], $0x80, $0x38;
	[tilespmem:$0x10400] =	vst v63  }
0x16d: {  	(v2sf) =	vpush v1, $0xB;
	s30 =	sadd.s32 s4, s22;
	s31 =	sand.u32 $0x1FFFFFF0, s23;
	s22 =	rddreg [dreg:$0x9]  }
0x16e: {  	[tilespmem:s9], [sflag:$0x1] =	stream.linear.gather [hbm4b:s21+s1], $0x80, $0x38;
	[tilespmem:$0x10400] =	vst v63  }
0x16f: {  	(v2sf) =	vpush v63, $0xB;
	s6 =	sadd.s32 s3, s31;
	s16 =	rddreg [dreg:$0x11];
	s5 =	spop (v2sf)  }
0x170: {  	(v2sf) =	vpush v1, $0xC;
	[tilespmem:s8], [sflag:$0x2] =	stream.linear.gather [hbm4b:s30+s1], $0x80, $0x38;
	[tilespmem:$0x10400] =	vst v63  }
0x171: {  	s9 =	rddreg [dreg:$0x13];
	s7 =	sand.u32 $0x1FFFFFF0, s5;
	s8 =	spop (v2sf)  }
0x172: {  	(v2sf) =	vpush v63, $0xC;
	s10 =	sadd.s32 s4, s7;
	s12 =	sand.u32 $0x1FFFFFF0, s8;
	s15 =	spop (v2sf)  }
0x173: {  	[tilespmem:s9], [sflag:$0x1] =	stream.linear.gather [hbm4b:s6+s1], $0x80, $0x38;
	[tilespmem:$0x10400] =	vst v63  }
0x174: {  	s7 =	rddreg [dreg:$0xd];
	s17 =	sadd.s32 s3, s12;
	s18 =	sand.u32 $0x1FFFFFF0, s15  }
0x175: {  	[tilespmem:s16], [sflag:$0x2] =	stream.linear.gather [hbm4b:s10+s1], $0x80, $0x38;
	[tilespmem:$0x10400] =	vst v63  }
0x176: {  	s21 =	spop (v2sf);
	s12 =	rddreg [dreg:$0xb];
	s23 =	sadd.s32 s4, s18  }
0x177: {  	[tilespmem:s22], [sflag:$0x1] =	stream.linear.gather [hbm4b:s17+s1], $0x80, $0x38;
	[tilespmem:$0x10400] =	vst v63  }
0x178: {  	s30 =	sand.u32 $0x1FFFFFF0, s21;
	s18 =	rddreg [dreg:$0x5];
	s31 =	spop (v2sf)  }
0x179: {  	[tilespmem:s7], [sflag:$0x2] =	stream.linear.gather [hbm4b:s23+s1], $0x80, $0x38;
	[tilespmem:$0x10400] =	vst v63  }
0x17a: {  	s8 =	sadd.s32 s3, s30;
	s30 =	rddreg [dreg:$0xf];
	s9 =	sand.u32 $0x1FFFFFF0, s31  }
0x17b: {  	[tilespmem:s12], [sflag:$0x1] =	stream.linear.gather [hbm4b:s8+s1], $0x80, $0x38;
	[tilespmem:$0x10400] =	vst v63  }
0x17c: {  	s10 =	spop (v2sf);
	s31 =	rddreg [dreg:$0x7];
	s15 =	sadd.s32 s4, s9  }
0x17d: {  	(v2sf) =	vpush v1, $0xD;
	[tilespmem:s18], [sflag:$0x2] =	stream.linear.gather [hbm4b:s15+s1], $0x80, $0x38;
	[tilespmem:$0x10400] =	vst v63  }
.Ltmp1:
0x17e: {  	(v2sf) =	vpush v63, $0xD;
	s16 =	sand.u32 $0x1FFFFFF0, s10;
	s17 =	spop (v2sf);
	(pc) =	sbr.rel @p0 .LBB2_4-.Ltmp1, $4  }
0x17f: {  	(v2sf) =	vpush v1, $0xE;
	s21 =	sadd.s32 s3, s16;
	s22 =	sand.u32 $0x1FFFFFF0, s17;
	s23 =	spop (v2sf)  }
0x180: {  	(v2sf) =	vpush v63, $0xE;
	[tilespmem:s30], [sflag:$0x1] =	stream.linear.gather [hbm4b:s21+s1], $0x80, $0x38;
	[tilespmem:$0x10400] =	vst v63  }
0x181: {  	(v2sf) =	vpush v1, $0xF;
	s2 =	sadd.s32 s4, s22;
	s0 =	sand.u32 $0x1FFFFFF0, s23;
	s5 =	spop (v2sf)  }
0x182: {  	(v2sf) =	vpush v63, $0xF;
	[tilespmem:s31], [sflag:$0x2] =	stream.linear.gather [hbm4b:s2+s1], $0x80, $0x38;
	[tilespmem:$0x10400] =	vst v63  }
0x183: {  	_ =	sdelay $0x4  }
0x184: {  	s0 =	sadd.s32 s3, s0;
	s2 =	sand.u32 $0x1FFFFFF0, s5  }
0x185: {  	[tilespmem:s29], [sflag:$0x1] =	stream.linear.gather [hbm4b:s0+s1], $0x80, $0x38;
	[tilespmem:$0x10400] =	vst v63  }
0x186: {  	s29 =	sadd.s32 s4, s2  }
0x187: {  	[tilespmem:s13], [sflag:$0x2] =	stream.linear.gather [hbm4b:s29+s1], $0x80, $0x38;
	[tilespmem:$0x10400] =	vst v63  }
0x188: {  	s25 =	spop (v2sf)  }
0x189: {  	s30 =	sand.u32 $0x1FFFFFF0, s25;
	s31 =	spop (v2sf)  }
0x18a: {  	s2 =	sadd.s32 s3, s30;
	s6 =	sand.u32 $0x1FFFFFF0, s31;
	s7 =	spop (v2sf)  }
0x18b: {  	[tilespmem:s14], [sflag:$0x1] =	stream.linear.gather [hbm4b:s2+s1], $0x80, $0x38;
	[tilespmem:$0x10400] =	vst v63  }
0x18c: {  	s8 =	sadd.s32 s4, s6;
	s9 =	sand.u32 $0x1FFFFFF0, s7;
	s10 =	spop (v2sf)  }
0x18d: {  	[tilespmem:s11], [sflag:$0x2] =	stream.linear.gather [hbm4b:s8+s1], $0x80, $0x38;
	[tilespmem:$0x10400] =	vst v63  }
0x18e: {  	s12 =	sadd.s32 s3, s9;
	s13 =	sand.u32 $0x1FFFFFF0, s10;
	s14 =	spop (v2sf)  }
0x18f: {  	[tilespmem:s28], [sflag:$0x1] =	stream.linear.gather [hbm4b:s12+s1], $0x80, $0x38;
	[tilespmem:$0x10400] =	vst v63  }
0x190: {  	s15 =	sadd.s32 s4, s13;
	s16 =	sand.u32 $0x1FFFFFF0, s14;
	s17 =	spop (v2sf)  }
0x191: {  	[tilespmem:s26], [sflag:$0x2] =	stream.linear.gather [hbm4b:s15+s1], $0x80, $0x38;
	[tilespmem:$0x10400] =	vst v63  }
0x192: {  	s18 =	sadd.s32 $0xB80, s19;
	s2 =	sadd.s32 s3, s16;
	s5 =	sand.u32 $0x1FFFFFF0, s17  }
0x193: {  	[tilespmem:s18], [sflag:$0x1] =	stream.linear.gather [hbm4b:s2+s1], $0x80, $0x38;
	[tilespmem:$0x10400] =	vst v63  }
0x194: {  	s20 =	sadd.s32 $0x8B80, s19;
	s22 =	simm.s32 $0x1;
	s21 =	sadd.s32 s4, s5  }
0x195: {  	[tilespmem:s20], [sflag:$0x2] =	stream.linear.gather [hbm4b:s21+s1], $0x80, $0x38;
	[tilespmem:$0x10400] =	vst v63  }
0x196: {  	_ =	swait.ge [sflag:s22], $0x8000  }
0x197: {  	s24 =	simm.s32 $0x400;
	[sflag:s22] =	ssyncset.done $0x0  }
0x198: {  	s25 =	simm.s32 $0x2;
	s23 =	rddreg [dreg:$0x1a];
	[sflag:s22] =	ssyncadd.s32 $0xFFFF8000  }
0x199: {  	[hbm4b:s23+s1] =	stream.linear.scatter [tilespmem:s24], [sflag:$0x3], $0x8000, $0x38;
	[tilespmem:$0x10400] =	vst v63  }
0x19a: {  	_ =	swait.ge [sflag:s25], $0x8000  }
0x19b: {  	s29 =	simm.s32 $0x3;
	[sflag:s25] =	ssyncset.done $0x0  }
0x19c: {  	s28 =	simm.s32 $0x8400;
	s26 =	rddreg [dreg:$0x1b];
	[sflag:s25] =	ssyncadd.s32 $0xFFFF8000  }
0x19d: {  	[hbm4b:s26+s1] =	stream.linear.scatter [tilespmem:s28], [sflag:$0x3], $0x8000, $0x38;
	[tilespmem:$0x10400] =	vst v63  }
0x19e: {  	_ =	swait.ge [sflag:s29], $0x8000  }
0x19f: {  	[sflag:s29] =	ssyncset.done $0x0  }
0x1a0: {  	[sflag:s29] =	ssyncadd.s32 $0xFFFF8000  }
0x1a1: {  	_ =	swait.ge [sflag:s29], $0x8000  }
0x1a2: {  	s30 =	rddreg [dreg:$0x1d]  }
0x1a3: {  	s31 =	rddreg [dreg:$0x1c];
	s5 =	sadd.s32 $0x1, s30  }
0x1a4: {  	p0 =	sne.s32 s5, s31  }
.Ltmp2:
0x1a5: {  	_ = 	snop;
	(pc) =	sbr.rel @p0 .LBB2_1-.Ltmp2, $3  }
0x1a6: {  	_ =	sdelay $0x1  }
0x1a7: {  	[sflag:s29] =	ssyncset.done $0x0  }
0x1a8: {  	[sflag:s29] =	ssyncadd.s32 $0xFFFF8000  }
0x1a9: {  	_ =	sfence.sel $0x180000  }
0x1aa: {  	[bflag:$0x0] =	sbarrier.arrive $0xFFFF  }
0x1ab: {  	_ =	strace $0x90000047  }
0x1ac: {  	s0 =	stileid.u32;
	[bflag:$0x2] =	sbarrier.arrive $0xFFFF  }
0x1ad: {  	p0 =	sne.s32 s0, $0x0;
	s0 =	rddreg [dreg:$0x3]  }
0x1ae: {  	s0 =	sadd.s32 @!p0 $0x100000, s0  }
0x1af: {  	[sflag:s0] =	ssyncadd.tile.s32 @!p0 $0x1;
	_ =	shalt  }
.Lfunc_end2:
_tile_overlayer_lowered:
.L_overlay_start_2:
0x1b0: {  	(tag) =	ssettag $0x2  }
0x1b1: {  	s0 =	rddreg [dreg:$0x0];
	s2 =	stileid.u32  }
0x1b2: {  	s1 =	rddreg [dreg:$0x1];
	p0 =	sne.s32 s2, $0x0  }
0x1b3: {  	s3 =	rddreg [dreg:$0x2];
	[bflag:$0x3] =	sbarrier.arrive $0xFFFF;
	s2 =	simm.s32 @!p0 $0x1C04  }
0x1b4: {  	[timem:s3], [sflag:s2] =	dma.local @!p0 [hbm:s0], s1  }
0x1b5: {  	s0 =	simm.s32 @!p0 $0x4  }
0x1b6: {  	_ =	swait.ge @!p0 [sflag:s0], s1  }
0x1b7: {  	s1 =	ssub.s32 @!p0 $0x0, s1;
	[sflag:s0] =	ssyncset.done @!p0 $0x0  }
0x1b8: {  	[sflag:s0] =	ssyncadd.s32 @!p0 s1  }
0x1b9: {  	[bflag:$0x3] =	sbarrier.arrive $0xFFFF  }
0x1ba: {  	_ =	shalt  }

</sc_bundles>
